<compile_context>
chip_gen: v7x
topology: tpu7x:2x2x1
jax: 0.10.2.dev20260603
libtpu: 0.0.44.dev20260713+nightly
codegen_flags: <defaults>
</compile_context>

<pallas_src>
import functools

import jax
import jax.numpy as jnp
import numpy as np
from jax import lax
from jax.experimental import pallas as pl
from jax.experimental.pallas import tpu as pltpu
from jax.experimental.pallas import tpu_sc as plsc

_B = 2
_N = 128
_BN = _B * _N
_NS = _BN // 2
_NW = 16
_ROWS = 512 // _NW


def _star_quantities(qs, ras, decs, mag_raw):
    B, N = _B, _N
    magnitude = (8.0 - mag_raw) / 10.0
    hars = -ras * 15.0 / 180.0 * np.pi
    ux = -(jnp.cos(decs) * jnp.sin(2.0 * np.pi - hars)).reshape(N, 1, 1)
    uy = -(jnp.cos(decs) * jnp.cos(2.0 * np.pi - hars)).reshape(N, 1, 1)
    uz = jnp.sin(decs).reshape(N, 1, 1)
    sphere = jnp.concatenate([ux, uy, uz], axis=1).reshape(1, N, 3, 1)
    a, b, c, d = qs[:, 0], qs[:, 1], qs[:, 2], qs[:, 3]
    r00 = a * a + b * b - c * c - d * d
    r01 = 2.0 * (b * c - a * d)
    r02 = 2.0 * (b * d + a * c)
    r10 = 2.0 * (b * c + a * d)
    r11 = a * a + c * c - b * b - d * d
    r12 = 2.0 * (c * d - a * b)
    r20 = 2.0 * (b * d - a * c)
    r21 = 2.0 * (c * d + a * b)
    r22 = a * a + d * d - b * b - c * c
    row0 = jnp.stack([r00, r01, r02], axis=-1)
    row1 = jnp.stack([r10, r11, r12], axis=-1)
    row2 = jnp.stack([r20, r21, r22], axis=-1)
    rot = jnp.stack([row0, row1, row2], axis=-2)
    pts = jnp.broadcast_to(sphere.reshape(-1, 1, 3, 1), (N, B, 3, 1)).reshape(-1, 3, 1)
    tr = jnp.broadcast_to(rot.reshape(-1, 1, 3, 3), (B, N, 3, 3)).reshape(-1, 3, 3)
    points = jnp.matmul(tr, pts).reshape(-1, N, 3, 1)
    mags = jnp.broadcast_to(magnitude.reshape(1, 1, N, 1), (B, 1, N, 1))
    uxs, uys, uzs = points[:, :, 0], points[:, :, 1], points[:, :, 2]
    alps = jnp.arctan2(uys, uxs)
    dlts = jnp.arctan2(uzs, jnp.sqrt(uxs * uxs + uys * uys))

    def plateu(v):
        return 1.0 / ((jnp.exp(100.0 * v - 50.0) + 1.0)
                      * (jnp.exp(-100.0 * v - 50.0) + 1.0))

    cs = jnp.cos(dlts) * jnp.cos(alps)
    xs = jnp.cos(dlts) * jnp.sin(alps)
    ys = jnp.sin(dlts)
    filt = (plateu(xs) * plateu(ys) * jax.nn.relu(cs)).reshape(B, N, 1, 1)
    win_x = jnp.fmod(xs, 0.5) / 0.5
    win_y = jnp.fmod(ys, 0.5) / 0.5
    ix = (256.0 + 256.0 * win_x).reshape(B * N).astype(jnp.int32)
    iy = (256.0 + 256.0 * win_y).reshape(B * N).astype(jnp.int32)
    ix = (ix * (ix < 512) + 511 * (ix > 511)) * (ix >= 0)
    iy = (iy * (iy < 512) + 511 * (iy > 511)) * (iy >= 0)
    key = ix * 512 + iy
    fw = filt.reshape(B * N) * mags.reshape(B * N)
    return key, fw


def _blur_patch():
    x = jnp.arange(-3, 4, dtype=jnp.float32)
    k1 = jnp.exp(-(x * x) / (2.0 * 3.0 * 3.0))
    k1 = k1 / jnp.sum(k1)
    k2 = jnp.outer(k1, k1)
    return jnp.pad(k2, ((0, 0), (0, 9))).reshape(112)


def _sky_body(pack_hbm, out_hbm, pack_v, stripe0, stripe1, sem):
    wid = lax.axis_index("s") + lax.axis_index("c") * _NW
    base_row = wid * _ROWS
    pack_copy = pltpu.async_copy(
        pack_hbm, pack_v.at[pl.ds(0, _NS * 2 + 112)], sem)

    def zero_body(i, carry):
        zv = jnp.zeros((16,), jnp.float32)
        for u in range(8):
            stripe0[pl.ds(i * 128 + u * 16, 16)] = zv
            stripe1[pl.ds(i * 128 + u * 16, 16)] = zv
        return carry

    lax.fori_loop(0, _ROWS * 512 // 128, zero_body, 0)
    pack_copy.wait()

    def make_star_body(stripe):
        def star_body(j, carry):
            key = pack_v[pl.ds(j, 16)][0]
            row = key >> 9
            col = key & 511
            lr = row - base_row
            hit = (row + 3 >= base_row) & (row - 3 < base_row + _ROWS)

            @pl.when(hit)
            def _():
                lane = lax.iota(jnp.int32, 16)
                deadv = jnp.zeros((16,), jnp.int32)
                for cch in range(_NS // 16):
                    kc = pack_v[cch * 16:(cch + 1) * 16]
                    jp = cch * 16 + lane
                    deadv = deadv | jnp.where(kc == key, j - jp, 0)
                alive = jnp.min(deadv) >= 0

                @pl.when(alive)
                def _():
                    lane2 = lax.iota(jnp.int32, 16)
                    w = plsc.bitcast(pack_v[pl.ds(_NS + j, 16)],
                                     jnp.float32)[0]
                    cols = col - 3 + lane2
                    cmask = (cols | (511 - cols) | (6 - lane2)) >= 0
                    for dy in range(7):
                        r = lr - 3 + dy
                        @pl.when((r >= 0) & (r < _ROWS))
                        def _():
                            vals = w * plsc.bitcast(
                                pack_v[2 * _NS + dy * 16:
                                       2 * _NS + (dy + 1) * 16], jnp.float32)
                            idx = r * 512 + cols
                            plsc.addupdate_scatter(stripe, [idx], vals,
                                                   mask=cmask)
            return carry
        return star_body

    lax.fori_loop(0, _NS // 2, make_star_body(stripe0), 0, unroll=2)
    out0 = pltpu.async_copy(
        stripe0, out_hbm.at[0, pl.ds(base_row * 512, _ROWS * 512)], sem)
    lax.fori_loop(_NS // 2, _NS, make_star_body(stripe1), 0, unroll=2)
    out1 = pltpu.async_copy(
        stripe1, out_hbm.at[1, pl.ds(base_row * 512, _ROWS * 512)], sem)
    out0.wait()
    out1.wait()


@functools.lru_cache(maxsize=1)
def _sky_call():
    return pl.kernel(
        _sky_body,
        out_type=jax.ShapeDtypeStruct((_B, 512 * 512), jnp.float32),
        mesh=plsc.VectorSubcoreMesh(core_axis_name="c", subcore_axis_name="s",
                                    num_cores=1),
        compiler_params=pltpu.CompilerParams(needs_layout_passes=False),
        scratch_types=[
            pltpu.VMEM((_NS * 2 + 112 + 16,), jnp.int32),
            pltpu.VMEM((_ROWS * 512,), jnp.float32),
            pltpu.VMEM((_ROWS * 512,), jnp.float32),
            pltpu.SemaphoreType.DMA,
        ],
    )


def kernel(qs, ras, decs, mag_raw):
    key, fw = _star_quantities(qs, ras, decs, mag_raw)
    k2 = _blur_patch()
    pack = jnp.concatenate([
        key[1::2],
        jax.lax.bitcast_convert_type(fw[1::2], jnp.int32),
        jax.lax.bitcast_convert_type(k2, jnp.int32),
    ])
    sky = _sky_call()(pack)
    return sky.reshape(_B, 1, 512, 512)

# --- scband reference (transcript-rebuilt; emitter-appended) ---
"""Pipeline reference for scband-skyview-17781164605795 (READ-ONLY COPY).

The authoritative reference and input builder live on the scoring server;
editing this copy changes nothing except your own understanding.
"""

import jax, jax.numpy as jnp
import numpy as np

BRIGHT = 128
HWIN = 0.5


def plateu(v):
    return 1.0 / ((jnp.exp(100.0 * v - 50.0) + 1.0) * (jnp.exp(-100.0 * v - 50.0) + 1.0))


def window(c):
    return jnp.fmod(c, HWIN) / HWIN


def xyz3(az, alt):
    n = az.shape[0]
    ux = -(jnp.cos(alt) * jnp.sin(2.0 * np.pi - az)).reshape(n, 1, 1)
    uy = -(jnp.cos(alt) * jnp.cos(2.0 * np.pi - az)).reshape(n, 1, 1)
    uz = jnp.sin(alt).reshape(n, 1, 1)
    return jnp.concatenate([ux, uy, uz], axis=1)


def q2rot(qs):
    a, b, c, d = qs[:, 0], qs[:, 1], qs[:, 2], qs[:, 3]
    r00 = a * a + b * b - c * c - d * d
    r01 = 2.0 * (b * c - a * d)
    r02 = 2.0 * (b * d + a * c)
    r10 = 2.0 * (b * c + a * d)
    r11 = a * a + c * c - b * b - d * d
    r12 = 2.0 * (c * d - a * b)
    r20 = 2.0 * (b * d - a * c)
    r21 = 2.0 * (c * d + a * b)
    r22 = a * a + d * d - b * b - c * c
    row0 = jnp.stack([r00, r01, r02], axis=-1)
    row1 = jnp.stack([r10, r11, r12], axis=-1)
    row2 = jnp.stack([r20, r21, r22], axis=-1)
    return jnp.stack([row0, row1, row2], axis=-2)


def rotate_points(rot, points, n_stars):
    # replicates the original flatten-order mismatch exactly:
    # points flattened (star, batch), rot flattened (batch, star)
    B = rot.shape[0]
    pts = jnp.broadcast_to(points.reshape(-1, 1, 3, 1), (n_stars, B, 3, 1)).reshape(-1, 3, 1)
    tr = jnp.broadcast_to(rot.reshape(-1, 1, 3, 3), (B, n_stars, 3, 3)).reshape(-1, 3, 3)
    out = jnp.matmul(tr, pts)
    return out.reshape(-1, n_stars, 3, 1)


def gaussian_blur(field, radius=3, sigma=3.0):
    x = jnp.arange(-radius, radius + 1, dtype=jnp.float32)
    k1 = jnp.exp(-(x * x) / (2.0 * sigma * sigma))
    k1 = k1 / jnp.sum(k1)
    k2 = jnp.outer(k1, k1).reshape(1, 1, 2 * radius + 1, 2 * radius + 1)
    return jax.lax.conv_general_dilated(field, k2, (1, 1), 'SAME',
                                        dimension_numbers=('NCHW', 'OIHW', 'NCHW'))


def _forward(qs, ras, decs, mag_raw):
    B = qs.shape[0]
    N = BRIGHT
    magnitude = (8.0 - mag_raw) / 10.0  # [1, N]
    # sphere()
    hars = -ras * 15.0 / 180.0 * np.pi
    sphere = xyz3(hars, decs).reshape(1, N, 3, 1)
    # q2rot + rotate_points
    rot = q2rot(qs)
    points = rotate_points(rot, sphere, N)  # [B, N, 3, 1]
    # mk_sky
    mags = jnp.broadcast_to(magnitude.reshape(1, 1, N, 1), (B, 1, N, 1))
    uxs, uys, uzs = points[:, :, 0], points[:, :, 1], points[:, :, 2]  # [B, N, 1]
    alps = jnp.arctan2(uys, uxs)
    dlts = jnp.arctan2(uzs, jnp.sqrt(uxs * uxs + uys * uys))
    cs = jnp.cos(dlts) * jnp.cos(alps)
    xs = jnp.cos(dlts) * jnp.sin(alps)
    ys = jnp.sin(dlts)
    filt = (plateu(xs) * plateu(ys) * jax.nn.relu(cs)).reshape(B, N, 1, 1)
    ix = (256.0 + 256.0 * window(xs)).reshape(B * N).astype(jnp.int32)
    iy = (256.0 + 256.0 * window(ys)).reshape(B * N).astype(jnp.int32)
    ix = (ix * (ix < 512) + 511 * (ix > 511)) * (ix >= 0)
    iy = (iy * (iy < 512) + 511 * (iy > 511)) * (iy >= 0)
    diag = jnp.diag(mags.reshape(B * N))
    background = jnp.zeros((B * N, 512, 512), dtype=jnp.float32).at[:, ix, iy].set(diag)
    background = jax.lax.stop_gradient(background.reshape(B, N, 512, 512))
    field = jnp.sum(filt * background, axis=1, keepdims=True)
    sky = gaussian_blur(field)
    return sky.reshape(-1, 1, 512, 512)


def setup_inputs(seed: int = 0) -> dict:
    key = jax.random.key(seed)
    k1, k2, k3, k4 = jax.random.split(key, 4)
    qs = jax.random.normal(k1, (2, 4), dtype=jnp.float32)
    ras = jax.random.uniform(k2, (BRIGHT, 1), minval=0.0, maxval=24.0, dtype=jnp.float32)
    decs = jax.random.uniform(k3, (BRIGHT, 1), minval=-np.pi / 2, maxval=np.pi / 2, dtype=jnp.float32)
    mag_raw = jax.random.uniform(k4, (1, BRIGHT), minval=0.0, maxval=8.0, dtype=jnp.float32)
    return {"qs": qs, "ras": ras, "decs": decs, "mag_raw": mag_raw}


def reference(qs, ras, decs, mag_raw):
    return _forward(qs, ras, decs, mag_raw)

if __name__ == "__main__":
    import jax
    _d = setup_inputs()
    print(jax.jit(kernel)(*tuple(_d.values())))

</pallas_src>

<mosaic_0001>
#map = affine_map<(d0, d1) -> (0)>
#map1 = affine_map<(d0, d1) -> (0, 0)>
module attributes {stable_mosaic.version = 14 : i64} {
  func.func @_sky_body(%arg0: i32, %arg1: i32, %arg2: memref<368xi32, #tpu.memory_space<hbm>>, %arg3: memref<2x262144xf32, #tpu.memory_space<hbm>>, %arg4: memref<384xi32, #tpu.memory_space<vmem>>, %arg5: memref<16384xf32, #tpu.memory_space<vmem>>, %arg6: memref<16384xf32, #tpu.memory_space<vmem>>, %arg7: memref<!tpu.dma_semaphore, #tpu.memory_space<semaphore_mem>>) attributes {dimension_semantics = [#tpu.dimension_semantics<core_parallel>, #tpu.dimension_semantics<subcore_parallel>], iteration_bounds = array<i64: 1, 16>, scalar_prefetch = 0 : i64, scratch_operands = 4 : i64, tpu.core_type = #tpu.core_type<sc_vector_subcore>, window_params = [{transform_indices = #map}, {transform_indices = #map1}]} {
    %mul3A = arith.constant 16 : i32
    %mul3A_0 = arith.muli %arg0, %mul3A : i32
    %add3A = arith.addi %arg1, %mul3A_0 : i32
    %mul3A_1 = arith.constant 32 : i32
    %mul3A_2 = arith.muli %add3A, %mul3A_1 : i32
    %dma_start3A = arith.constant 0 : i32
    %dma_start3A_3 = tpu.memref_slice %arg4[%dma_start3A] : memref<384xi32, #tpu.memory_space<vmem>> -> memref<368xi32, #tpu.memory_space<vmem>>
    %dma_start3A_4 = arith.constant 0 : i32
    %dma_start3A_5 = tpu.memref_slice %arg4[%dma_start3A_4] : memref<384xi32, #tpu.memory_space<vmem>> -> memref<368xi32, #tpu.memory_space<vmem>>
    tpu.enqueue_dma source(%arg2 : memref<368xi32, #tpu.memory_space<hbm>>) target(%dma_start3A_5 : memref<368xi32, #tpu.memory_space<vmem>>) target_semaphore(%arg7 : memref<!tpu.dma_semaphore, #tpu.memory_space<semaphore_mem>>)
    %scan3A = arith.constant 0 : i32
    %scan3A_6 = arith.constant 0 : i32
    %scan3A_7 = arith.constant 128 : i32
    %scan3A_8 = arith.addi %scan3A_6, %scan3A_7 : i32
    %scan3A_9 = arith.constant 1 : i32
    scf.for %scan3A_50 = %scan3A_6 to %scan3A_8 step %scan3A_9  : i32 {
      %broadcast_in_dim3A = arith.constant 0.000000e+00 : f32
      %broadcast_in_dim3A_51 = vector.broadcast %broadcast_in_dim3A : f32 to vector<16xf32>
      %mul3A_52 = arith.constant 128 : i32
      %mul3A_53 = arith.muli %scan3A_50, %mul3A_52 : i32
      %add3A_54 = arith.constant 0 : i32
      %add3A_55 = arith.addi %mul3A_53, %add3A_54 : i32
      %swap3A = arith.index_cast %add3A_55 : i32 to index
      %swap3A_56 = tpu.vector_load %arg5[%swap3A] {strides = array<i32>} : memref<16384xf32, #tpu.memory_space<vmem>>, vector<16xf32>,
      tpu.vector_store %arg5[%swap3A], %broadcast_in_dim3A_51 {strides = array<i32>} : memref<16384xf32, #tpu.memory_space<vmem>>, vector<16xf32>,
      %mul3A_57 = arith.constant 128 : i32
      %mul3A_58 = arith.muli %scan3A_50, %mul3A_57 : i32
      %add3A_59 = arith.constant 0 : i32
      %add3A_60 = arith.addi %mul3A_58, %add3A_59 : i32
      %swap3A_61 = arith.index_cast %add3A_60 : i32 to index
      %swap3A_62 = tpu.vector_load %arg6[%swap3A_61] {strides = array<i32>} : memref<16384xf32, #tpu.memory_space<vmem>>, vector<16xf32>,
      tpu.vector_store %arg6[%swap3A_61], %broadcast_in_dim3A_51 {strides = array<i32>} : memref<16384xf32, #tpu.memory_space<vmem>>, vector<16xf32>,
      %mul3A_63 = arith.constant 128 : i32
      %mul3A_64 = arith.muli %scan3A_50, %mul3A_63 : i32
      %add3A_65 = arith.constant 16 : i32
      %add3A_66 = arith.addi %mul3A_64, %add3A_65 : i32
      %swap3A_67 = arith.index_cast %add3A_66 : i32 to index
      %swap3A_68 = tpu.vector_load %arg5[%swap3A_67] {strides = array<i32>} : memref<16384xf32, #tpu.memory_space<vmem>>, vector<16xf32>,
      tpu.vector_store %arg5[%swap3A_67], %broadcast_in_dim3A_51 {strides = array<i32>} : memref<16384xf32, #tpu.memory_space<vmem>>, vector<16xf32>,
      %mul3A_69 = arith.constant 128 : i32
      %mul3A_70 = arith.muli %scan3A_50, %mul3A_69 : i32
      %add3A_71 = arith.constant 16 : i32
      %add3A_72 = arith.addi %mul3A_70, %add3A_71 : i32
      %swap3A_73 = arith.index_cast %add3A_72 : i32 to index
      %swap3A_74 = tpu.vector_load %arg6[%swap3A_73] {strides = array<i32>} : memref<16384xf32, #tpu.memory_space<vmem>>, vector<16xf32>,
      tpu.vector_store %arg6[%swap3A_73], %broadcast_in_dim3A_51 {strides = array<i32>} : memref<16384xf32, #tpu.memory_space<vmem>>, vector<16xf32>,
      %mul3A_75 = arith.constant 128 : i32
      %mul3A_76 = arith.muli %scan3A_50, %mul3A_75 : i32
      %add3A_77 = arith.constant 32 : i32
      %add3A_78 = arith.addi %mul3A_76, %add3A_77 : i32
      %swap3A_79 = arith.index_cast %add3A_78 : i32 to index
      %swap3A_80 = tpu.vector_load %arg5[%swap3A_79] {strides = array<i32>} : memref<16384xf32, #tpu.memory_space<vmem>>, vector<16xf32>,
      tpu.vector_store %arg5[%swap3A_79], %broadcast_in_dim3A_51 {strides = array<i32>} : memref<16384xf32, #tpu.memory_space<vmem>>, vector<16xf32>,
      %mul3A_81 = arith.constant 128 : i32
      %mul3A_82 = arith.muli %scan3A_50, %mul3A_81 : i32
      %add3A_83 = arith.constant 32 : i32
      %add3A_84 = arith.addi %mul3A_82, %add3A_83 : i32
      %swap3A_85 = arith.index_cast %add3A_84 : i32 to index
      %swap3A_86 = tpu.vector_load %arg6[%swap3A_85] {strides = array<i32>} : memref<16384xf32, #tpu.memory_space<vmem>>, vector<16xf32>,
      tpu.vector_store %arg6[%swap3A_85], %broadcast_in_dim3A_51 {strides = array<i32>} : memref<16384xf32, #tpu.memory_space<vmem>>, vector<16xf32>,
      %mul3A_87 = arith.constant 128 : i32
      %mul3A_88 = arith.muli %scan3A_50, %mul3A_87 : i32
      %add3A_89 = arith.constant 48 : i32
      %add3A_90 = arith.addi %mul3A_88, %add3A_89 : i32
      %swap3A_91 = arith.index_cast %add3A_90 : i32 to index
      %swap3A_92 = tpu.vector_load %arg5[%swap3A_91] {strides = array<i32>} : memref<16384xf32, #tpu.memory_space<vmem>>, vector<16xf32>,
      tpu.vector_store %arg5[%swap3A_91], %broadcast_in_dim3A_51 {strides = array<i32>} : memref<16384xf32, #tpu.memory_space<vmem>>, vector<16xf32>,
      %mul3A_93 = arith.constant 128 : i32
      %mul3A_94 = arith.muli %scan3A_50, %mul3A_93 : i32
      %add3A_95 = arith.constant 48 : i32
      %add3A_96 = arith.addi %mul3A_94, %add3A_95 : i32
      %swap3A_97 = arith.index_cast %add3A_96 : i32 to index
      %swap3A_98 = tpu.vector_load %arg6[%swap3A_97] {strides = array<i32>} : memref<16384xf32, #tpu.memory_space<vmem>>, vector<16xf32>,
      tpu.vector_store %arg6[%swap3A_97], %broadcast_in_dim3A_51 {strides = array<i32>} : memref<16384xf32, #tpu.memory_space<vmem>>, vector<16xf32>,
      %mul3A_99 = arith.constant 128 : i32
      %mul3A_100 = arith.muli %scan3A_50, %mul3A_99 : i32
      %add3A_101 = arith.constant 64 : i32
      %add3A_102 = arith.addi %mul3A_100, %add3A_101 : i32
      %swap3A_103 = arith.index_cast %add3A_102 : i32 to index
      %swap3A_104 = tpu.vector_load %arg5[%swap3A_103] {strides = array<i32>} : memref<16384xf32, #tpu.memory_space<vmem>>, vector<16xf32>,
      tpu.vector_store %arg5[%swap3A_103], %broadcast_in_dim3A_51 {strides = array<i32>} : memref<16384xf32, #tpu.memory_space<vmem>>, vector<16xf32>,
      %mul3A_105 = arith.constant 128 : i32
      %mul3A_106 = arith.muli %scan3A_50, %mul3A_105 : i32
      %add3A_107 = arith.constant 64 : i32
      %add3A_108 = arith.addi %mul3A_106, %add3A_107 : i32
      %swap3A_109 = arith.index_cast %add3A_108 : i32 to index
      %swap3A_110 = tpu.vector_load %arg6[%swap3A_109] {strides = array<i32>} : memref<16384xf32, #tpu.memory_space<vmem>>, vector<16xf32>,
      tpu.vector_store %arg6[%swap3A_109], %broadcast_in_dim3A_51 {strides = array<i32>} : memref<16384xf32, #tpu.memory_space<vmem>>, vector<16xf32>,
      %mul3A_111 = arith.constant 128 : i32
      %mul3A_112 = arith.muli %scan3A_50, %mul3A_111 : i32
      %add3A_113 = arith.constant 80 : i32
      %add3A_114 = arith.addi %mul3A_112, %add3A_113 : i32
      %swap3A_115 = arith.index_cast %add3A_114 : i32 to index
      %swap3A_116 = tpu.vector_load %arg5[%swap3A_115] {strides = array<i32>} : memref<16384xf32, #tpu.memory_space<vmem>>, vector<16xf32>,
      tpu.vector_store %arg5[%swap3A_115], %broadcast_in_dim3A_51 {strides = array<i32>} : memref<16384xf32, #tpu.memory_space<vmem>>, vector<16xf32>,
      %mul3A_117 = arith.constant 128 : i32
      %mul3A_118 = arith.muli %scan3A_50, %mul3A_117 : i32
      %add3A_119 = arith.constant 80 : i32
      %add3A_120 = arith.addi %mul3A_118, %add3A_119 : i32
      %swap3A_121 = arith.index_cast %add3A_120 : i32 to index
      %swap3A_122 = tpu.vector_load %arg6[%swap3A_121] {strides = array<i32>} : memref<16384xf32, #tpu.memory_space<vmem>>, vector<16xf32>,
      tpu.vector_store %arg6[%swap3A_121], %broadcast_in_dim3A_51 {strides = array<i32>} : memref<16384xf32, #tpu.memory_space<vmem>>, vector<16xf32>,
      %mul3A_123 = arith.constant 128 : i32
      %mul3A_124 = arith.muli %scan3A_50, %mul3A_123 : i32
      %add3A_125 = arith.constant 96 : i32
      %add3A_126 = arith.addi %mul3A_124, %add3A_125 : i32
      %swap3A_127 = arith.index_cast %add3A_126 : i32 to index
      %swap3A_128 = tpu.vector_load %arg5[%swap3A_127] {strides = array<i32>} : memref<16384xf32, #tpu.memory_space<vmem>>, vector<16xf32>,
      tpu.vector_store %arg5[%swap3A_127], %broadcast_in_dim3A_51 {strides = array<i32>} : memref<16384xf32, #tpu.memory_space<vmem>>, vector<16xf32>,
      %mul3A_129 = arith.constant 128 : i32
      %mul3A_130 = arith.muli %scan3A_50, %mul3A_129 : i32
      %add3A_131 = arith.constant 96 : i32
      %add3A_132 = arith.addi %mul3A_130, %add3A_131 : i32
      %swap3A_133 = arith.index_cast %add3A_132 : i32 to index
      %swap3A_134 = tpu.vector_load %arg6[%swap3A_133] {strides = array<i32>} : memref<16384xf32, #tpu.memory_space<vmem>>, vector<16xf32>,
      tpu.vector_store %arg6[%swap3A_133], %broadcast_in_dim3A_51 {strides = array<i32>} : memref<16384xf32, #tpu.memory_space<vmem>>, vector<16xf32>,
      %mul3A_135 = arith.constant 128 : i32
      %mul3A_136 = arith.muli %scan3A_50, %mul3A_135 : i32
      %add3A_137 = arith.constant 112 : i32
      %add3A_138 = arith.addi %mul3A_136, %add3A_137 : i32
      %swap3A_139 = arith.index_cast %add3A_138 : i32 to index
      %swap3A_140 = tpu.vector_load %arg5[%swap3A_139] {strides = array<i32>} : memref<16384xf32, #tpu.memory_space<vmem>>, vector<16xf32>,
      tpu.vector_store %arg5[%swap3A_139], %broadcast_in_dim3A_51 {strides = array<i32>} : memref<16384xf32, #tpu.memory_space<vmem>>, vector<16xf32>,
      %mul3A_141 = arith.constant 128 : i32
      %mul3A_142 = arith.muli %scan3A_50, %mul3A_141 : i32
      %add3A_143 = arith.constant 112 : i32
      %add3A_144 = arith.addi %mul3A_142, %add3A_143 : i32
      %swap3A_145 = arith.index_cast %add3A_144 : i32 to index
      %swap3A_146 = tpu.vector_load %arg6[%swap3A_145] {strides = array<i32>} : memref<16384xf32, #tpu.memory_space<vmem>>, vector<16xf32>,
      tpu.vector_store %arg6[%swap3A_145], %broadcast_in_dim3A_51 {strides = array<i32>} : memref<16384xf32, #tpu.memory_space<vmem>>, vector<16xf32>,
    }
    %scan3A_10 = arith.constant 128 : i32
    %dma_wait3A = arith.constant 0 : i32
    %dma_wait3A_11 = tpu.memref_slice %arg4[%dma_wait3A] : memref<384xi32, #tpu.memory_space<vmem>> -> memref<368xi32, #tpu.memory_space<vmem>>
    %dma_wait3A_12 = arith.constant 0 : i32
    %dma_wait3A_13 = tpu.memref_slice %arg4[%dma_wait3A_12] : memref<384xi32, #tpu.memory_space<vmem>> -> memref<368xi32, #tpu.memory_space<vmem>>
    tpu.wait_dma2 semaphore(%arg7 : memref<!tpu.dma_semaphore, #tpu.memory_space<semaphore_mem>>) src(%arg2 : memref<368xi32, #tpu.memory_space<hbm>>) dst(%dma_wait3A_13 : memref<368xi32, #tpu.memory_space<vmem>>)
    %scan3A_14 = arith.constant 0 : i32
    %scan3A_15 = arith.constant 0 : i32
    %scan3A_16 = arith.constant 64 : i32
    %scan3A_17 = arith.addi %scan3A_15, %scan3A_16 : i32
    %scan3A_18 = arith.constant 2 : i32
    scf.for %scan3A_50 = %scan3A_15 to %scan3A_17 step %scan3A_18  : i32 {
      %get3A = arith.index_cast %scan3A_50 : i32 to index
      %get3A_51 = tpu.vector_load %arg4[%get3A] {strides = array<i32>} : memref<384xi32, #tpu.memory_space<vmem>>, vector<16xi32>,
      %slice3A = vector.extract_strided_slice %get3A_51 {offsets = [0], sizes = [1], strides = [1]} : vector<16xi32> to vector<1xi32>
      %squeeze3A = vector.extract %slice3A[0] : i32 from vector<1xi32>
      %shift_right_arithmetic3A = arith.constant 9 : i32
      %shift_right_arithmetic3A_52 = arith.shrsi %squeeze3A, %shift_right_arithmetic3A : i32
      %and3A = arith.constant 511 : i32
      %and3A_53 = arith.andi %squeeze3A, %and3A : i32
      %sub3A = arith.subi %shift_right_arithmetic3A_52, %mul3A_2 : i32
      %add3A_54 = arith.constant 3 : i32
      %add3A_55 = arith.addi %shift_right_arithmetic3A_52, %add3A_54 : i32
      %ge3A = arith.cmpi sge, %add3A_55, %mul3A_2 : i32
      %sub3A_56 = arith.constant 3 : i32
      %sub3A_57 = arith.subi %shift_right_arithmetic3A_52, %sub3A_56 : i32
      %add3A_58 = arith.constant 32 : i32
      %add3A_59 = arith.addi %mul3A_2, %add3A_58 : i32
      %lt3A = arith.cmpi slt, %sub3A_57, %add3A_59 : i32
      %and3A_60 = arith.andi %ge3A, %lt3A : i1
      %convert_element_type3A = arith.extui %and3A_60 : i1 to i32
      %cond3A = arith.constant 0 : i32
      %cond3A_61 = arith.cmpi ne, %convert_element_type3A, %cond3A : i32
      scf.if %cond3A_61 {
        %iota3A = tpu.iota {dimensions = array<i32: 0>} : vector<16xi32>
        %broadcast_in_dim3A = arith.constant 0 : i32
        %broadcast_in_dim3A_85 = vector.broadcast %broadcast_in_dim3A : i32 to vector<16xi32>
        %get3A_86 = arith.constant 0 : index
        %get3A_87 = tpu.vector_load %arg4[%get3A_86] {strides = array<i32>} : memref<384xi32, #tpu.memory_space<vmem>>, vector<16xi32>,
        %add3A_88 = arith.constant 0 : i32
        %add3A_89 = vector.broadcast %add3A_88 : i32 to vector<16xi32>
        %add3A_90 = arith.addi %add3A_89, %iota3A : vector<16xi32>
        %eq3A = vector.broadcast %squeeze3A : i32 to vector<16xi32>
        %eq3A_91 = arith.cmpi eq, %get3A_87, %eq3A : vector<16xi32>
        %sub3A_92 = vector.broadcast %scan3A_50 : i32 to vector<16xi32>
        %sub3A_93 = arith.subi %sub3A_92, %add3A_90 : vector<16xi32>
        %jit3A = arith.constant 0 : i32
        %broadcast_in_dim3A_94 = vector.broadcast %jit3A : i32 to vector<16xi32>
        %select_n3A = arith.select %eq3A_91, %sub3A_93, %broadcast_in_dim3A_94 : vector<16xi1>, vector<16xi32>
        %or3A = arith.ori %broadcast_in_dim3A_85, %select_n3A : vector<16xi32>
        %get3A_95 = arith.constant 16 : index
        %get3A_96 = tpu.vector_load %arg4[%get3A_95] {strides = array<i32>} : memref<384xi32, #tpu.memory_space<vmem>>, vector<16xi32>,
        %add3A_97 = arith.constant 16 : i32
        %add3A_98 = vector.broadcast %add3A_97 : i32 to vector<16xi32>
        %add3A_99 = arith.addi %add3A_98, %iota3A : vector<16xi32>
        %eq3A_100 = vector.broadcast %squeeze3A : i32 to vector<16xi32>
        %eq3A_101 = arith.cmpi eq, %get3A_96, %eq3A_100 : vector<16xi32>
        %sub3A_102 = vector.broadcast %scan3A_50 : i32 to vector<16xi32>
        %sub3A_103 = arith.subi %sub3A_102, %add3A_99 : vector<16xi32>
        %jit3A_104 = arith.constant 0 : i32
        %broadcast_in_dim3A_105 = vector.broadcast %jit3A_104 : i32 to vector<16xi32>
        %select_n3A_106 = arith.select %eq3A_101, %sub3A_103, %broadcast_in_dim3A_105 : vector<16xi1>, vector<16xi32>
        %or3A_107 = arith.ori %or3A, %select_n3A_106 : vector<16xi32>
        %get3A_108 = arith.constant 32 : index
        %get3A_109 = tpu.vector_load %arg4[%get3A_108] {strides = array<i32>} : memref<384xi32, #tpu.memory_space<vmem>>, vector<16xi32>,
        %add3A_110 = arith.constant 32 : i32
        %add3A_111 = vector.broadcast %add3A_110 : i32 to vector<16xi32>
        %add3A_112 = arith.addi %add3A_111, %iota3A : vector<16xi32>
        %eq3A_113 = vector.broadcast %squeeze3A : i32 to vector<16xi32>
        %eq3A_114 = arith.cmpi eq, %get3A_109, %eq3A_113 : vector<16xi32>
        %sub3A_115 = vector.broadcast %scan3A_50 : i32 to vector<16xi32>
        %sub3A_116 = arith.subi %sub3A_115, %add3A_112 : vector<16xi32>
        %jit3A_117 = arith.constant 0 : i32
        %broadcast_in_dim3A_118 = vector.broadcast %jit3A_117 : i32 to vector<16xi32>
        %select_n3A_119 = arith.select %eq3A_114, %sub3A_116, %broadcast_in_dim3A_118 : vector<16xi1>, vector<16xi32>
        %or3A_120 = arith.ori %or3A_107, %select_n3A_119 : vector<16xi32>
        %get3A_121 = arith.constant 48 : index
        %get3A_122 = tpu.vector_load %arg4[%get3A_121] {strides = array<i32>} : memref<384xi32, #tpu.memory_space<vmem>>, vector<16xi32>,
        %add3A_123 = arith.constant 48 : i32
        %add3A_124 = vector.broadcast %add3A_123 : i32 to vector<16xi32>
        %add3A_125 = arith.addi %add3A_124, %iota3A : vector<16xi32>
        %eq3A_126 = vector.broadcast %squeeze3A : i32 to vector<16xi32>
        %eq3A_127 = arith.cmpi eq, %get3A_122, %eq3A_126 : vector<16xi32>
        %sub3A_128 = vector.broadcast %scan3A_50 : i32 to vector<16xi32>
        %sub3A_129 = arith.subi %sub3A_128, %add3A_125 : vector<16xi32>
        %jit3A_130 = arith.constant 0 : i32
        %broadcast_in_dim3A_131 = vector.broadcast %jit3A_130 : i32 to vector<16xi32>
        %select_n3A_132 = arith.select %eq3A_127, %sub3A_129, %broadcast_in_dim3A_131 : vector<16xi1>, vector<16xi32>
        %or3A_133 = arith.ori %or3A_120, %select_n3A_132 : vector<16xi32>
        %get3A_134 = arith.constant 64 : index
        %get3A_135 = tpu.vector_load %arg4[%get3A_134] {strides = array<i32>} : memref<384xi32, #tpu.memory_space<vmem>>, vector<16xi32>,
        %add3A_136 = arith.constant 64 : i32
        %add3A_137 = vector.broadcast %add3A_136 : i32 to vector<16xi32>
        %add3A_138 = arith.addi %add3A_137, %iota3A : vector<16xi32>
        %eq3A_139 = vector.broadcast %squeeze3A : i32 to vector<16xi32>
        %eq3A_140 = arith.cmpi eq, %get3A_135, %eq3A_139 : vector<16xi32>
        %sub3A_141 = vector.broadcast %scan3A_50 : i32 to vector<16xi32>
        %sub3A_142 = arith.subi %sub3A_141, %add3A_138 : vector<16xi32>
        %jit3A_143 = arith.constant 0 : i32
        %broadcast_in_dim3A_144 = vector.broadcast %jit3A_143 : i32 to vector<16xi32>
        %select_n3A_145 = arith.select %eq3A_140, %sub3A_142, %broadcast_in_dim3A_144 : vector<16xi1>, vector<16xi32>
        %or3A_146 = arith.ori %or3A_133, %select_n3A_145 : vector<16xi32>
        %get3A_147 = arith.constant 80 : index
        %get3A_148 = tpu.vector_load %arg4[%get3A_147] {strides = array<i32>} : memref<384xi32, #tpu.memory_space<vmem>>, vector<16xi32>,
        %add3A_149 = arith.constant 80 : i32
        %add3A_150 = vector.broadcast %add3A_149 : i32 to vector<16xi32>
        %add3A_151 = arith.addi %add3A_150, %iota3A : vector<16xi32>
        %eq3A_152 = vector.broadcast %squeeze3A : i32 to vector<16xi32>
        %eq3A_153 = arith.cmpi eq, %get3A_148, %eq3A_152 : vector<16xi32>
        %sub3A_154 = vector.broadcast %scan3A_50 : i32 to vector<16xi32>
        %sub3A_155 = arith.subi %sub3A_154, %add3A_151 : vector<16xi32>
        %jit3A_156 = arith.constant 0 : i32
        %broadcast_in_dim3A_157 = vector.broadcast %jit3A_156 : i32 to vector<16xi32>
        %select_n3A_158 = arith.select %eq3A_153, %sub3A_155, %broadcast_in_dim3A_157 : vector<16xi1>, vector<16xi32>
        %or3A_159 = arith.ori %or3A_146, %select_n3A_158 : vector<16xi32>
        %get3A_160 = arith.constant 96 : index
        %get3A_161 = tpu.vector_load %arg4[%get3A_160] {strides = array<i32>} : memref<384xi32, #tpu.memory_space<vmem>>, vector<16xi32>,
        %add3A_162 = arith.constant 96 : i32
        %add3A_163 = vector.broadcast %add3A_162 : i32 to vector<16xi32>
        %add3A_164 = arith.addi %add3A_163, %iota3A : vector<16xi32>
        %eq3A_165 = vector.broadcast %squeeze3A : i32 to vector<16xi32>
        %eq3A_166 = arith.cmpi eq, %get3A_161, %eq3A_165 : vector<16xi32>
        %sub3A_167 = vector.broadcast %scan3A_50 : i32 to vector<16xi32>
        %sub3A_168 = arith.subi %sub3A_167, %add3A_164 : vector<16xi32>
        %jit3A_169 = arith.constant 0 : i32
        %broadcast_in_dim3A_170 = vector.broadcast %jit3A_169 : i32 to vector<16xi32>
        %select_n3A_171 = arith.select %eq3A_166, %sub3A_168, %broadcast_in_dim3A_170 : vector<16xi1>, vector<16xi32>
        %or3A_172 = arith.ori %or3A_159, %select_n3A_171 : vector<16xi32>
        %get3A_173 = arith.constant 112 : index
        %get3A_174 = tpu.vector_load %arg4[%get3A_173] {strides = array<i32>} : memref<384xi32, #tpu.memory_space<vmem>>, vector<16xi32>,
        %add3A_175 = arith.constant 112 : i32
        %add3A_176 = vector.broadcast %add3A_175 : i32 to vector<16xi32>
        %add3A_177 = arith.addi %add3A_176, %iota3A : vector<16xi32>
        %eq3A_178 = vector.broadcast %squeeze3A : i32 to vector<16xi32>
        %eq3A_179 = arith.cmpi eq, %get3A_174, %eq3A_178 : vector<16xi32>
        %sub3A_180 = vector.broadcast %scan3A_50 : i32 to vector<16xi32>
        %sub3A_181 = arith.subi %sub3A_180, %add3A_177 : vector<16xi32>
        %jit3A_182 = arith.constant 0 : i32
        %broadcast_in_dim3A_183 = vector.broadcast %jit3A_182 : i32 to vector<16xi32>
        %select_n3A_184 = arith.select %eq3A_179, %sub3A_181, %broadcast_in_dim3A_183 : vector<16xi1>, vector<16xi32>
        %or3A_185 = arith.ori %or3A_172, %select_n3A_184 : vector<16xi32>
        %reduce_min3A = arith.constant true
        %reduce_min3A_186 = vector.broadcast %reduce_min3A : i1 to vector<16xi1>
        %reduce_min3A_187 = arith.constant -2147483648 : i32
        %reduce_min3A_188 = vector.broadcast %reduce_min3A_187 : i32 to vector<16xi32>
        %reduce_min3A_189 = arith.xori %or3A_185, %reduce_min3A_188 : vector<16xi32>
        %reduce_min3A_190 = tpu.scan <min>, %reduce_min3A_189 masked %reduce_min3A_186 : vector<16xi32>, vector<16xi1> -> vector<16xi32>
        %reduce_min3A_191 = arith.xori %reduce_min3A_190, %reduce_min3A_188 : vector<16xi32>
        %reduce_min3A_192 = vector.extract %reduce_min3A_191[15] : i32 from vector<16xi32>
        %ge3A_193 = arith.constant 0 : i32
        %ge3A_194 = arith.cmpi sge, %reduce_min3A_192, %ge3A_193 : i32
        %convert_element_type3A_195 = arith.extui %ge3A_194 : i1 to i32
        %cond3A_196 = arith.constant 0 : i32
        %cond3A_197 = arith.cmpi ne, %convert_element_type3A_195, %cond3A_196 : i32
        scf.if %cond3A_197 {
          %iota3A_198 = tpu.iota {dimensions = array<i32: 0>} : vector<16xi32>
          %add3A_199 = arith.constant 128 : i32
          %add3A_200 = arith.addi %add3A_199, %scan3A_50 : i32
          %get3A_201 = arith.index_cast %add3A_200 : i32 to index
          %get3A_202 = tpu.vector_load %arg4[%get3A_201] {strides = array<i32>} : memref<384xi32, #tpu.memory_space<vmem>>, vector<16xi32>,
          %bitcast3A = vector.bitcast %get3A_202 : vector<16xi32> to vector<16xf32>
          %slice3A_203 = vector.extract_strided_slice %bitcast3A {offsets = [0], sizes = [1], strides = [1]} : vector<16xf32> to vector<1xf32>
          %squeeze3A_204 = vector.extract %slice3A_203[0] : f32 from vector<1xf32>
          %sub3A_205 = arith.constant 3 : i32
          %sub3A_206 = arith.subi %and3A_53, %sub3A_205 : i32
          %add3A_207 = vector.broadcast %sub3A_206 : i32 to vector<16xi32>
          %add3A_208 = arith.addi %add3A_207, %iota3A_198 : vector<16xi32>
          %sub3A_209 = arith.constant 511 : i32
          %sub3A_210 = vector.broadcast %sub3A_209 : i32 to vector<16xi32>
          %sub3A_211 = arith.subi %sub3A_210, %add3A_208 : vector<16xi32>
          %or3A_212 = arith.ori %add3A_208, %sub3A_211 : vector<16xi32>
          %sub3A_213 = arith.constant 6 : i32
          %sub3A_214 = vector.broadcast %sub3A_213 : i32 to vector<16xi32>
          %sub3A_215 = arith.subi %sub3A_214, %iota3A_198 : vector<16xi32>
          %or3A_216 = arith.ori %or3A_212, %sub3A_215 : vector<16xi32>
          %ge3A_217 = arith.constant 0 : i32
          %ge3A_218 = vector.broadcast %ge3A_217 : i32 to vector<16xi32>
          %ge3A_219 = arith.cmpi sge, %or3A_216, %ge3A_218 : vector<16xi32>
          %sub3A_220 = arith.constant 3 : i32
          %sub3A_221 = arith.subi %sub3A, %sub3A_220 : i32
          %add3A_222 = arith.constant 0 : i32
          %add3A_223 = arith.addi %sub3A_221, %add3A_222 : i32
          %ge3A_224 = arith.constant 0 : i32
          %ge3A_225 = arith.cmpi sge, %add3A_223, %ge3A_224 : i32
          %lt3A_226 = arith.constant 32 : i32
          %lt3A_227 = arith.cmpi slt, %add3A_223, %lt3A_226 : i32
          %and3A_228 = arith.andi %ge3A_225, %lt3A_227 : i1
          %convert_element_type3A_229 = arith.extui %and3A_228 : i1 to i32
          %cond3A_230 = arith.constant 0 : i32
          %cond3A_231 = arith.cmpi ne, %convert_element_type3A_229, %cond3A_230 : i32
          scf.if %cond3A_231 {
            %get3A_304 = arith.constant 256 : index
            %get3A_305 = tpu.vector_load %arg4[%get3A_304] {strides = array<i32>} : memref<384xi32, #tpu.memory_space<vmem>>, vector<16xi32>,
            %bitcast3A_306 = vector.bitcast %get3A_305 : vector<16xi32> to vector<16xf32>
            %mul3A_307 = vector.broadcast %squeeze3A_204 : f32 to vector<16xf32>
            %mul3A_308 = arith.mulf %mul3A_307, %bitcast3A_306 : vector<16xf32>
            %mul3A_309 = arith.constant 512 : i32
            %mul3A_310 = arith.muli %add3A_223, %mul3A_309 : i32
            %add3A_311 = vector.broadcast %mul3A_310 : i32 to vector<16xi32>
            %add3A_312 = arith.addi %add3A_311, %add3A_208 : vector<16xi32>
            tpu.vector_store_idx %arg5[%add3A_312], %mul3A_308 masked %ge3A_219 {add = true} : memref<16384xf32, #tpu.memory_space<vmem>>[vector<16xi32>], vector<16xf32>, vector<16xi1>
          } else {
          }
          %sub3A_232 = arith.constant 3 : i32
          %sub3A_233 = arith.subi %sub3A, %sub3A_232 : i32
          %add3A_234 = arith.constant 1 : i32
          %add3A_235 = arith.addi %sub3A_233, %add3A_234 : i32
          %ge3A_236 = arith.constant 0 : i32
          %ge3A_237 = arith.cmpi sge, %add3A_235, %ge3A_236 : i32
          %lt3A_238 = arith.constant 32 : i32
          %lt3A_239 = arith.cmpi slt, %add3A_235, %lt3A_238 : i32
          %and3A_240 = arith.andi %ge3A_237, %lt3A_239 : i1
          %convert_element_type3A_241 = arith.extui %and3A_240 : i1 to i32
          %cond3A_242 = arith.constant 0 : i32
          %cond3A_243 = arith.cmpi ne, %convert_element_type3A_241, %cond3A_242 : i32
          scf.if %cond3A_243 {
            %get3A_304 = arith.constant 272 : index
            %get3A_305 = tpu.vector_load %arg4[%get3A_304] {strides = array<i32>} : memref<384xi32, #tpu.memory_space<vmem>>, vector<16xi32>,
            %bitcast3A_306 = vector.bitcast %get3A_305 : vector<16xi32> to vector<16xf32>
            %mul3A_307 = vector.broadcast %squeeze3A_204 : f32 to vector<16xf32>
            %mul3A_308 = arith.mulf %mul3A_307, %bitcast3A_306 : vector<16xf32>
            %mul3A_309 = arith.constant 512 : i32
            %mul3A_310 = arith.muli %add3A_235, %mul3A_309 : i32
            %add3A_311 = vector.broadcast %mul3A_310 : i32 to vector<16xi32>
            %add3A_312 = arith.addi %add3A_311, %add3A_208 : vector<16xi32>
            tpu.vector_store_idx %arg5[%add3A_312], %mul3A_308 masked %ge3A_219 {add = true} : memref<16384xf32, #tpu.memory_space<vmem>>[vector<16xi32>], vector<16xf32>, vector<16xi1>
          } else {
          }
          %sub3A_244 = arith.constant 3 : i32
          %sub3A_245 = arith.subi %sub3A, %sub3A_244 : i32
          %add3A_246 = arith.constant 2 : i32
          %add3A_247 = arith.addi %sub3A_245, %add3A_246 : i32
          %ge3A_248 = arith.constant 0 : i32
          %ge3A_249 = arith.cmpi sge, %add3A_247, %ge3A_248 : i32
          %lt3A_250 = arith.constant 32 : i32
          %lt3A_251 = arith.cmpi slt, %add3A_247, %lt3A_250 : i32
          %and3A_252 = arith.andi %ge3A_249, %lt3A_251 : i1
          %convert_element_type3A_253 = arith.extui %and3A_252 : i1 to i32
          %cond3A_254 = arith.constant 0 : i32
          %cond3A_255 = arith.cmpi ne, %convert_element_type3A_253, %cond3A_254 : i32
          scf.if %cond3A_255 {
            %get3A_304 = arith.constant 288 : index
            %get3A_305 = tpu.vector_load %arg4[%get3A_304] {strides = array<i32>} : memref<384xi32, #tpu.memory_space<vmem>>, vector<16xi32>,
            %bitcast3A_306 = vector.bitcast %get3A_305 : vector<16xi32> to vector<16xf32>
            %mul3A_307 = vector.broadcast %squeeze3A_204 : f32 to vector<16xf32>
            %mul3A_308 = arith.mulf %mul3A_307, %bitcast3A_306 : vector<16xf32>
            %mul3A_309 = arith.constant 512 : i32
            %mul3A_310 = arith.muli %add3A_247, %mul3A_309 : i32
            %add3A_311 = vector.broadcast %mul3A_310 : i32 to vector<16xi32>
            %add3A_312 = arith.addi %add3A_311, %add3A_208 : vector<16xi32>
            tpu.vector_store_idx %arg5[%add3A_312], %mul3A_308 masked %ge3A_219 {add = true} : memref<16384xf32, #tpu.memory_space<vmem>>[vector<16xi32>], vector<16xf32>, vector<16xi1>
          } else {
          }
          %sub3A_256 = arith.constant 3 : i32
          %sub3A_257 = arith.subi %sub3A, %sub3A_256 : i32
          %add3A_258 = arith.constant 3 : i32
          %add3A_259 = arith.addi %sub3A_257, %add3A_258 : i32
          %ge3A_260 = arith.constant 0 : i32
          %ge3A_261 = arith.cmpi sge, %add3A_259, %ge3A_260 : i32
          %lt3A_262 = arith.constant 32 : i32
          %lt3A_263 = arith.cmpi slt, %add3A_259, %lt3A_262 : i32
          %and3A_264 = arith.andi %ge3A_261, %lt3A_263 : i1
          %convert_element_type3A_265 = arith.extui %and3A_264 : i1 to i32
          %cond3A_266 = arith.constant 0 : i32
          %cond3A_267 = arith.cmpi ne, %convert_element_type3A_265, %cond3A_266 : i32
          scf.if %cond3A_267 {
            %get3A_304 = arith.constant 304 : index
            %get3A_305 = tpu.vector_load %arg4[%get3A_304] {strides = array<i32>} : memref<384xi32, #tpu.memory_space<vmem>>, vector<16xi32>,
            %bitcast3A_306 = vector.bitcast %get3A_305 : vector<16xi32> to vector<16xf32>
            %mul3A_307 = vector.broadcast %squeeze3A_204 : f32 to vector<16xf32>
            %mul3A_308 = arith.mulf %mul3A_307, %bitcast3A_306 : vector<16xf32>
            %mul3A_309 = arith.constant 512 : i32
            %mul3A_310 = arith.muli %add3A_259, %mul3A_309 : i32
            %add3A_311 = vector.broadcast %mul3A_310 : i32 to vector<16xi32>
            %add3A_312 = arith.addi %add3A_311, %add3A_208 : vector<16xi32>
            tpu.vector_store_idx %arg5[%add3A_312], %mul3A_308 masked %ge3A_219 {add = true} : memref<16384xf32, #tpu.memory_space<vmem>>[vector<16xi32>], vector<16xf32>, vector<16xi1>
          } else {
          }
          %sub3A_268 = arith.constant 3 : i32
          %sub3A_269 = arith.subi %sub3A, %sub3A_268 : i32
          %add3A_270 = arith.constant 4 : i32
          %add3A_271 = arith.addi %sub3A_269, %add3A_270 : i32
          %ge3A_272 = arith.constant 0 : i32
          %ge3A_273 = arith.cmpi sge, %add3A_271, %ge3A_272 : i32
          %lt3A_274 = arith.constant 32 : i32
          %lt3A_275 = arith.cmpi slt, %add3A_271, %lt3A_274 : i32
          %and3A_276 = arith.andi %ge3A_273, %lt3A_275 : i1
          %convert_element_type3A_277 = arith.extui %and3A_276 : i1 to i32
          %cond3A_278 = arith.constant 0 : i32
          %cond3A_279 = arith.cmpi ne, %convert_element_type3A_277, %cond3A_278 : i32
          scf.if %cond3A_279 {
            %get3A_304 = arith.constant 320 : index
            %get3A_305 = tpu.vector_load %arg4[%get3A_304] {strides = array<i32>} : memref<384xi32, #tpu.memory_space<vmem>>, vector<16xi32>,
            %bitcast3A_306 = vector.bitcast %get3A_305 : vector<16xi32> to vector<16xf32>
            %mul3A_307 = vector.broadcast %squeeze3A_204 : f32 to vector<16xf32>
            %mul3A_308 = arith.mulf %mul3A_307, %bitcast3A_306 : vector<16xf32>
            %mul3A_309 = arith.constant 512 : i32
            %mul3A_310 = arith.muli %add3A_271, %mul3A_309 : i32
            %add3A_311 = vector.broadcast %mul3A_310 : i32 to vector<16xi32>
            %add3A_312 = arith.addi %add3A_311, %add3A_208 : vector<16xi32>
            tpu.vector_store_idx %arg5[%add3A_312], %mul3A_308 masked %ge3A_219 {add = true} : memref<16384xf32, #tpu.memory_space<vmem>>[vector<16xi32>], vector<16xf32>, vector<16xi1>
          } else {
          }
          %sub3A_280 = arith.constant 3 : i32
          %sub3A_281 = arith.subi %sub3A, %sub3A_280 : i32
          %add3A_282 = arith.constant 5 : i32
          %add3A_283 = arith.addi %sub3A_281, %add3A_282 : i32
          %ge3A_284 = arith.constant 0 : i32
          %ge3A_285 = arith.cmpi sge, %add3A_283, %ge3A_284 : i32
          %lt3A_286 = arith.constant 32 : i32
          %lt3A_287 = arith.cmpi slt, %add3A_283, %lt3A_286 : i32
          %and3A_288 = arith.andi %ge3A_285, %lt3A_287 : i1
          %convert_element_type3A_289 = arith.extui %and3A_288 : i1 to i32
          %cond3A_290 = arith.constant 0 : i32
          %cond3A_291 = arith.cmpi ne, %convert_element_type3A_289, %cond3A_290 : i32
          scf.if %cond3A_291 {
            %get3A_304 = arith.constant 336 : index
            %get3A_305 = tpu.vector_load %arg4[%get3A_304] {strides = array<i32>} : memref<384xi32, #tpu.memory_space<vmem>>, vector<16xi32>,
            %bitcast3A_306 = vector.bitcast %get3A_305 : vector<16xi32> to vector<16xf32>
            %mul3A_307 = vector.broadcast %squeeze3A_204 : f32 to vector<16xf32>
            %mul3A_308 = arith.mulf %mul3A_307, %bitcast3A_306 : vector<16xf32>
            %mul3A_309 = arith.constant 512 : i32
            %mul3A_310 = arith.muli %add3A_283, %mul3A_309 : i32
            %add3A_311 = vector.broadcast %mul3A_310 : i32 to vector<16xi32>
            %add3A_312 = arith.addi %add3A_311, %add3A_208 : vector<16xi32>
            tpu.vector_store_idx %arg5[%add3A_312], %mul3A_308 masked %ge3A_219 {add = true} : memref<16384xf32, #tpu.memory_space<vmem>>[vector<16xi32>], vector<16xf32>, vector<16xi1>
          } else {
          }
          %sub3A_292 = arith.constant 3 : i32
          %sub3A_293 = arith.subi %sub3A, %sub3A_292 : i32
          %add3A_294 = arith.constant 6 : i32
          %add3A_295 = arith.addi %sub3A_293, %add3A_294 : i32
          %ge3A_296 = arith.constant 0 : i32
          %ge3A_297 = arith.cmpi sge, %add3A_295, %ge3A_296 : i32
          %lt3A_298 = arith.constant 32 : i32
          %lt3A_299 = arith.cmpi slt, %add3A_295, %lt3A_298 : i32
          %and3A_300 = arith.andi %ge3A_297, %lt3A_299 : i1
          %convert_element_type3A_301 = arith.extui %and3A_300 : i1 to i32
          %cond3A_302 = arith.constant 0 : i32
          %cond3A_303 = arith.cmpi ne, %convert_element_type3A_301, %cond3A_302 : i32
          scf.if %cond3A_303 {
            %get3A_304 = arith.constant 352 : index
            %get3A_305 = tpu.vector_load %arg4[%get3A_304] {strides = array<i32>} : memref<384xi32, #tpu.memory_space<vmem>>, vector<16xi32>,
            %bitcast3A_306 = vector.bitcast %get3A_305 : vector<16xi32> to vector<16xf32>
            %mul3A_307 = vector.broadcast %squeeze3A_204 : f32 to vector<16xf32>
            %mul3A_308 = arith.mulf %mul3A_307, %bitcast3A_306 : vector<16xf32>
            %mul3A_309 = arith.constant 512 : i32
            %mul3A_310 = arith.muli %add3A_295, %mul3A_309 : i32
            %add3A_311 = vector.broadcast %mul3A_310 : i32 to vector<16xi32>
            %add3A_312 = arith.addi %add3A_311, %add3A_208 : vector<16xi32>
            tpu.vector_store_idx %arg5[%add3A_312], %mul3A_308 masked %ge3A_219 {add = true} : memref<16384xf32, #tpu.memory_space<vmem>>[vector<16xi32>], vector<16xf32>, vector<16xi1>
          } else {
          }
        } else {
        }
      } else {
      }
      %scan3A_62 = arith.constant 1 : i32
      %scan3A_63 = arith.addi %scan3A_50, %scan3A_62 : i32
      %get3A_64 = arith.index_cast %scan3A_63 : i32 to index
      %get3A_65 = tpu.vector_load %arg4[%get3A_64] {strides = array<i32>} : memref<384xi32, #tpu.memory_space<vmem>>, vector<16xi32>,
      %slice3A_66 = vector.extract_strided_slice %get3A_65 {offsets = [0], sizes = [1], strides = [1]} : vector<16xi32> to vector<1xi32>
      %squeeze3A_67 = vector.extract %slice3A_66[0] : i32 from vector<1xi32>
      %shift_right_arithmetic3A_68 = arith.constant 9 : i32
      %shift_right_arithmetic3A_69 = arith.shrsi %squeeze3A_67, %shift_right_arithmetic3A_68 : i32
      %and3A_70 = arith.constant 511 : i32
      %and3A_71 = arith.andi %squeeze3A_67, %and3A_70 : i32
      %sub3A_72 = arith.subi %shift_right_arithmetic3A_69, %mul3A_2 : i32
      %add3A_73 = arith.constant 3 : i32
      %add3A_74 = arith.addi %shift_right_arithmetic3A_69, %add3A_73 : i32
      %ge3A_75 = arith.cmpi sge, %add3A_74, %mul3A_2 : i32
      %sub3A_76 = arith.constant 3 : i32
      %sub3A_77 = arith.subi %shift_right_arithmetic3A_69, %sub3A_76 : i32
      %add3A_78 = arith.constant 32 : i32
      %add3A_79 = arith.addi %mul3A_2, %add3A_78 : i32
      %lt3A_80 = arith.cmpi slt, %sub3A_77, %add3A_79 : i32
      %and3A_81 = arith.andi %ge3A_75, %lt3A_80 : i1
      %convert_element_type3A_82 = arith.extui %and3A_81 : i1 to i32
      %cond3A_83 = arith.constant 0 : i32
      %cond3A_84 = arith.cmpi ne, %convert_element_type3A_82, %cond3A_83 : i32
      scf.if %cond3A_84 {
        %iota3A = tpu.iota {dimensions = array<i32: 0>} : vector<16xi32>
        %broadcast_in_dim3A = arith.constant 0 : i32
        %broadcast_in_dim3A_85 = vector.broadcast %broadcast_in_dim3A : i32 to vector<16xi32>
        %get3A_86 = arith.constant 0 : index
        %get3A_87 = tpu.vector_load %arg4[%get3A_86] {strides = array<i32>} : memref<384xi32, #tpu.memory_space<vmem>>, vector<16xi32>,
        %add3A_88 = arith.constant 0 : i32
        %add3A_89 = vector.broadcast %add3A_88 : i32 to vector<16xi32>
        %add3A_90 = arith.addi %add3A_89, %iota3A : vector<16xi32>
        %eq3A = vector.broadcast %squeeze3A_67 : i32 to vector<16xi32>
        %eq3A_91 = arith.cmpi eq, %get3A_87, %eq3A : vector<16xi32>
        %sub3A_92 = vector.broadcast %scan3A_63 : i32 to vector<16xi32>
        %sub3A_93 = arith.subi %sub3A_92, %add3A_90 : vector<16xi32>
        %jit3A = arith.constant 0 : i32
        %broadcast_in_dim3A_94 = vector.broadcast %jit3A : i32 to vector<16xi32>
        %select_n3A = arith.select %eq3A_91, %sub3A_93, %broadcast_in_dim3A_94 : vector<16xi1>, vector<16xi32>
        %or3A = arith.ori %broadcast_in_dim3A_85, %select_n3A : vector<16xi32>
        %get3A_95 = arith.constant 16 : index
        %get3A_96 = tpu.vector_load %arg4[%get3A_95] {strides = array<i32>} : memref<384xi32, #tpu.memory_space<vmem>>, vector<16xi32>,
        %add3A_97 = arith.constant 16 : i32
        %add3A_98 = vector.broadcast %add3A_97 : i32 to vector<16xi32>
        %add3A_99 = arith.addi %add3A_98, %iota3A : vector<16xi32>
        %eq3A_100 = vector.broadcast %squeeze3A_67 : i32 to vector<16xi32>
        %eq3A_101 = arith.cmpi eq, %get3A_96, %eq3A_100 : vector<16xi32>
        %sub3A_102 = vector.broadcast %scan3A_63 : i32 to vector<16xi32>
        %sub3A_103 = arith.subi %sub3A_102, %add3A_99 : vector<16xi32>
        %jit3A_104 = arith.constant 0 : i32
        %broadcast_in_dim3A_105 = vector.broadcast %jit3A_104 : i32 to vector<16xi32>
        %select_n3A_106 = arith.select %eq3A_101, %sub3A_103, %broadcast_in_dim3A_105 : vector<16xi1>, vector<16xi32>
        %or3A_107 = arith.ori %or3A, %select_n3A_106 : vector<16xi32>
        %get3A_108 = arith.constant 32 : index
        %get3A_109 = tpu.vector_load %arg4[%get3A_108] {strides = array<i32>} : memref<384xi32, #tpu.memory_space<vmem>>, vector<16xi32>,
        %add3A_110 = arith.constant 32 : i32
        %add3A_111 = vector.broadcast %add3A_110 : i32 to vector<16xi32>
        %add3A_112 = arith.addi %add3A_111, %iota3A : vector<16xi32>
        %eq3A_113 = vector.broadcast %squeeze3A_67 : i32 to vector<16xi32>
        %eq3A_114 = arith.cmpi eq, %get3A_109, %eq3A_113 : vector<16xi32>
        %sub3A_115 = vector.broadcast %scan3A_63 : i32 to vector<16xi32>
        %sub3A_116 = arith.subi %sub3A_115, %add3A_112 : vector<16xi32>
        %jit3A_117 = arith.constant 0 : i32
        %broadcast_in_dim3A_118 = vector.broadcast %jit3A_117 : i32 to vector<16xi32>
        %select_n3A_119 = arith.select %eq3A_114, %sub3A_116, %broadcast_in_dim3A_118 : vector<16xi1>, vector<16xi32>
        %or3A_120 = arith.ori %or3A_107, %select_n3A_119 : vector<16xi32>
        %get3A_121 = arith.constant 48 : index
        %get3A_122 = tpu.vector_load %arg4[%get3A_121] {strides = array<i32>} : memref<384xi32, #tpu.memory_space<vmem>>, vector<16xi32>,
        %add3A_123 = arith.constant 48 : i32
        %add3A_124 = vector.broadcast %add3A_123 : i32 to vector<16xi32>
        %add3A_125 = arith.addi %add3A_124, %iota3A : vector<16xi32>
        %eq3A_126 = vector.broadcast %squeeze3A_67 : i32 to vector<16xi32>
        %eq3A_127 = arith.cmpi eq, %get3A_122, %eq3A_126 : vector<16xi32>
        %sub3A_128 = vector.broadcast %scan3A_63 : i32 to vector<16xi32>
        %sub3A_129 = arith.subi %sub3A_128, %add3A_125 : vector<16xi32>
        %jit3A_130 = arith.constant 0 : i32
        %broadcast_in_dim3A_131 = vector.broadcast %jit3A_130 : i32 to vector<16xi32>
        %select_n3A_132 = arith.select %eq3A_127, %sub3A_129, %broadcast_in_dim3A_131 : vector<16xi1>, vector<16xi32>
        %or3A_133 = arith.ori %or3A_120, %select_n3A_132 : vector<16xi32>
        %get3A_134 = arith.constant 64 : index
        %get3A_135 = tpu.vector_load %arg4[%get3A_134] {strides = array<i32>} : memref<384xi32, #tpu.memory_space<vmem>>, vector<16xi32>,
        %add3A_136 = arith.constant 64 : i32
        %add3A_137 = vector.broadcast %add3A_136 : i32 to vector<16xi32>
        %add3A_138 = arith.addi %add3A_137, %iota3A : vector<16xi32>
        %eq3A_139 = vector.broadcast %squeeze3A_67 : i32 to vector<16xi32>
        %eq3A_140 = arith.cmpi eq, %get3A_135, %eq3A_139 : vector<16xi32>
        %sub3A_141 = vector.broadcast %scan3A_63 : i32 to vector<16xi32>
        %sub3A_142 = arith.subi %sub3A_141, %add3A_138 : vector<16xi32>
        %jit3A_143 = arith.constant 0 : i32
        %broadcast_in_dim3A_144 = vector.broadcast %jit3A_143 : i32 to vector<16xi32>
        %select_n3A_145 = arith.select %eq3A_140, %sub3A_142, %broadcast_in_dim3A_144 : vector<16xi1>, vector<16xi32>
        %or3A_146 = arith.ori %or3A_133, %select_n3A_145 : vector<16xi32>
        %get3A_147 = arith.constant 80 : index
        %get3A_148 = tpu.vector_load %arg4[%get3A_147] {strides = array<i32>} : memref<384xi32, #tpu.memory_space<vmem>>, vector<16xi32>,
        %add3A_149 = arith.constant 80 : i32
        %add3A_150 = vector.broadcast %add3A_149 : i32 to vector<16xi32>
        %add3A_151 = arith.addi %add3A_150, %iota3A : vector<16xi32>
        %eq3A_152 = vector.broadcast %squeeze3A_67 : i32 to vector<16xi32>
        %eq3A_153 = arith.cmpi eq, %get3A_148, %eq3A_152 : vector<16xi32>
        %sub3A_154 = vector.broadcast %scan3A_63 : i32 to vector<16xi32>
        %sub3A_155 = arith.subi %sub3A_154, %add3A_151 : vector<16xi32>
        %jit3A_156 = arith.constant 0 : i32
        %broadcast_in_dim3A_157 = vector.broadcast %jit3A_156 : i32 to vector<16xi32>
        %select_n3A_158 = arith.select %eq3A_153, %sub3A_155, %broadcast_in_dim3A_157 : vector<16xi1>, vector<16xi32>
        %or3A_159 = arith.ori %or3A_146, %select_n3A_158 : vector<16xi32>
        %get3A_160 = arith.constant 96 : index
        %get3A_161 = tpu.vector_load %arg4[%get3A_160] {strides = array<i32>} : memref<384xi32, #tpu.memory_space<vmem>>, vector<16xi32>,
        %add3A_162 = arith.constant 96 : i32
        %add3A_163 = vector.broadcast %add3A_162 : i32 to vector<16xi32>
        %add3A_164 = arith.addi %add3A_163, %iota3A : vector<16xi32>
        %eq3A_165 = vector.broadcast %squeeze3A_67 : i32 to vector<16xi32>
        %eq3A_166 = arith.cmpi eq, %get3A_161, %eq3A_165 : vector<16xi32>
        %sub3A_167 = vector.broadcast %scan3A_63 : i32 to vector<16xi32>
        %sub3A_168 = arith.subi %sub3A_167, %add3A_164 : vector<16xi32>
        %jit3A_169 = arith.constant 0 : i32
        %broadcast_in_dim3A_170 = vector.broadcast %jit3A_169 : i32 to vector<16xi32>
        %select_n3A_171 = arith.select %eq3A_166, %sub3A_168, %broadcast_in_dim3A_170 : vector<16xi1>, vector<16xi32>
        %or3A_172 = arith.ori %or3A_159, %select_n3A_171 : vector<16xi32>
        %get3A_173 = arith.constant 112 : index
        %get3A_174 = tpu.vector_load %arg4[%get3A_173] {strides = array<i32>} : memref<384xi32, #tpu.memory_space<vmem>>, vector<16xi32>,
        %add3A_175 = arith.constant 112 : i32
        %add3A_176 = vector.broadcast %add3A_175 : i32 to vector<16xi32>
        %add3A_177 = arith.addi %add3A_176, %iota3A : vector<16xi32>
        %eq3A_178 = vector.broadcast %squeeze3A_67 : i32 to vector<16xi32>
        %eq3A_179 = arith.cmpi eq, %get3A_174, %eq3A_178 : vector<16xi32>
        %sub3A_180 = vector.broadcast %scan3A_63 : i32 to vector<16xi32>
        %sub3A_181 = arith.subi %sub3A_180, %add3A_177 : vector<16xi32>
        %jit3A_182 = arith.constant 0 : i32
        %broadcast_in_dim3A_183 = vector.broadcast %jit3A_182 : i32 to vector<16xi32>
        %select_n3A_184 = arith.select %eq3A_179, %sub3A_181, %broadcast_in_dim3A_183 : vector<16xi1>, vector<16xi32>
        %or3A_185 = arith.ori %or3A_172, %select_n3A_184 : vector<16xi32>
        %reduce_min3A = arith.constant true
        %reduce_min3A_186 = vector.broadcast %reduce_min3A : i1 to vector<16xi1>
        %reduce_min3A_187 = arith.constant -2147483648 : i32
        %reduce_min3A_188 = vector.broadcast %reduce_min3A_187 : i32 to vector<16xi32>
        %reduce_min3A_189 = arith.xori %or3A_185, %reduce_min3A_188 : vector<16xi32>
        %reduce_min3A_190 = tpu.scan <min>, %reduce_min3A_189 masked %reduce_min3A_186 : vector<16xi32>, vector<16xi1> -> vector<16xi32>
        %reduce_min3A_191 = arith.xori %reduce_min3A_190, %reduce_min3A_188 : vector<16xi32>
        %reduce_min3A_192 = vector.extract %reduce_min3A_191[15] : i32 from vector<16xi32>
        %ge3A_193 = arith.constant 0 : i32
        %ge3A_194 = arith.cmpi sge, %reduce_min3A_192, %ge3A_193 : i32
        %convert_element_type3A_195 = arith.extui %ge3A_194 : i1 to i32
        %cond3A_196 = arith.constant 0 : i32
        %cond3A_197 = arith.cmpi ne, %convert_element_type3A_195, %cond3A_196 : i32
        scf.if %cond3A_197 {
          %iota3A_198 = tpu.iota {dimensions = array<i32: 0>} : vector<16xi32>
          %add3A_199 = arith.constant 128 : i32
          %add3A_200 = arith.addi %add3A_199, %scan3A_63 : i32
          %get3A_201 = arith.index_cast %add3A_200 : i32 to index
          %get3A_202 = tpu.vector_load %arg4[%get3A_201] {strides = array<i32>} : memref<384xi32, #tpu.memory_space<vmem>>, vector<16xi32>,
          %bitcast3A = vector.bitcast %get3A_202 : vector<16xi32> to vector<16xf32>
          %slice3A_203 = vector.extract_strided_slice %bitcast3A {offsets = [0], sizes = [1], strides = [1]} : vector<16xf32> to vector<1xf32>
          %squeeze3A_204 = vector.extract %slice3A_203[0] : f32 from vector<1xf32>
          %sub3A_205 = arith.constant 3 : i32
          %sub3A_206 = arith.subi %and3A_71, %sub3A_205 : i32
          %add3A_207 = vector.broadcast %sub3A_206 : i32 to vector<16xi32>
          %add3A_208 = arith.addi %add3A_207, %iota3A_198 : vector<16xi32>
          %sub3A_209 = arith.constant 511 : i32
          %sub3A_210 = vector.broadcast %sub3A_209 : i32 to vector<16xi32>
          %sub3A_211 = arith.subi %sub3A_210, %add3A_208 : vector<16xi32>
          %or3A_212 = arith.ori %add3A_208, %sub3A_211 : vector<16xi32>
          %sub3A_213 = arith.constant 6 : i32
          %sub3A_214 = vector.broadcast %sub3A_213 : i32 to vector<16xi32>
          %sub3A_215 = arith.subi %sub3A_214, %iota3A_198 : vector<16xi32>
          %or3A_216 = arith.ori %or3A_212, %sub3A_215 : vector<16xi32>
          %ge3A_217 = arith.constant 0 : i32
          %ge3A_218 = vector.broadcast %ge3A_217 : i32 to vector<16xi32>
          %ge3A_219 = arith.cmpi sge, %or3A_216, %ge3A_218 : vector<16xi32>
          %sub3A_220 = arith.constant 3 : i32
          %sub3A_221 = arith.subi %sub3A_72, %sub3A_220 : i32
          %add3A_222 = arith.constant 0 : i32
          %add3A_223 = arith.addi %sub3A_221, %add3A_222 : i32
          %ge3A_224 = arith.constant 0 : i32
          %ge3A_225 = arith.cmpi sge, %add3A_223, %ge3A_224 : i32
          %lt3A_226 = arith.constant 32 : i32
          %lt3A_227 = arith.cmpi slt, %add3A_223, %lt3A_226 : i32
          %and3A_228 = arith.andi %ge3A_225, %lt3A_227 : i1
          %convert_element_type3A_229 = arith.extui %and3A_228 : i1 to i32
          %cond3A_230 = arith.constant 0 : i32
          %cond3A_231 = arith.cmpi ne, %convert_element_type3A_229, %cond3A_230 : i32
          scf.if %cond3A_231 {
            %get3A_304 = arith.constant 256 : index
            %get3A_305 = tpu.vector_load %arg4[%get3A_304] {strides = array<i32>} : memref<384xi32, #tpu.memory_space<vmem>>, vector<16xi32>,
            %bitcast3A_306 = vector.bitcast %get3A_305 : vector<16xi32> to vector<16xf32>
            %mul3A_307 = vector.broadcast %squeeze3A_204 : f32 to vector<16xf32>
            %mul3A_308 = arith.mulf %mul3A_307, %bitcast3A_306 : vector<16xf32>
            %mul3A_309 = arith.constant 512 : i32
            %mul3A_310 = arith.muli %add3A_223, %mul3A_309 : i32
            %add3A_311 = vector.broadcast %mul3A_310 : i32 to vector<16xi32>
            %add3A_312 = arith.addi %add3A_311, %add3A_208 : vector<16xi32>
            tpu.vector_store_idx %arg5[%add3A_312], %mul3A_308 masked %ge3A_219 {add = true} : memref<16384xf32, #tpu.memory_space<vmem>>[vector<16xi32>], vector<16xf32>, vector<16xi1>
          } else {
          }
          %sub3A_232 = arith.constant 3 : i32
          %sub3A_233 = arith.subi %sub3A_72, %sub3A_232 : i32
          %add3A_234 = arith.constant 1 : i32
          %add3A_235 = arith.addi %sub3A_233, %add3A_234 : i32
          %ge3A_236 = arith.constant 0 : i32
          %ge3A_237 = arith.cmpi sge, %add3A_235, %ge3A_236 : i32
          %lt3A_238 = arith.constant 32 : i32
          %lt3A_239 = arith.cmpi slt, %add3A_235, %lt3A_238 : i32
          %and3A_240 = arith.andi %ge3A_237, %lt3A_239 : i1
          %convert_element_type3A_241 = arith.extui %and3A_240 : i1 to i32
          %cond3A_242 = arith.constant 0 : i32
          %cond3A_243 = arith.cmpi ne, %convert_element_type3A_241, %cond3A_242 : i32
          scf.if %cond3A_243 {
            %get3A_304 = arith.constant 272 : index
            %get3A_305 = tpu.vector_load %arg4[%get3A_304] {strides = array<i32>} : memref<384xi32, #tpu.memory_space<vmem>>, vector<16xi32>,
            %bitcast3A_306 = vector.bitcast %get3A_305 : vector<16xi32> to vector<16xf32>
            %mul3A_307 = vector.broadcast %squeeze3A_204 : f32 to vector<16xf32>
            %mul3A_308 = arith.mulf %mul3A_307, %bitcast3A_306 : vector<16xf32>
            %mul3A_309 = arith.constant 512 : i32
            %mul3A_310 = arith.muli %add3A_235, %mul3A_309 : i32
            %add3A_311 = vector.broadcast %mul3A_310 : i32 to vector<16xi32>
            %add3A_312 = arith.addi %add3A_311, %add3A_208 : vector<16xi32>
            tpu.vector_store_idx %arg5[%add3A_312], %mul3A_308 masked %ge3A_219 {add = true} : memref<16384xf32, #tpu.memory_space<vmem>>[vector<16xi32>], vector<16xf32>, vector<16xi1>
          } else {
          }
          %sub3A_244 = arith.constant 3 : i32
          %sub3A_245 = arith.subi %sub3A_72, %sub3A_244 : i32
          %add3A_246 = arith.constant 2 : i32
          %add3A_247 = arith.addi %sub3A_245, %add3A_246 : i32
          %ge3A_248 = arith.constant 0 : i32
          %ge3A_249 = arith.cmpi sge, %add3A_247, %ge3A_248 : i32
          %lt3A_250 = arith.constant 32 : i32
          %lt3A_251 = arith.cmpi slt, %add3A_247, %lt3A_250 : i32
          %and3A_252 = arith.andi %ge3A_249, %lt3A_251 : i1
          %convert_element_type3A_253 = arith.extui %and3A_252 : i1 to i32
          %cond3A_254 = arith.constant 0 : i32
          %cond3A_255 = arith.cmpi ne, %convert_element_type3A_253, %cond3A_254 : i32
          scf.if %cond3A_255 {
            %get3A_304 = arith.constant 288 : index
            %get3A_305 = tpu.vector_load %arg4[%get3A_304] {strides = array<i32>} : memref<384xi32, #tpu.memory_space<vmem>>, vector<16xi32>,
            %bitcast3A_306 = vector.bitcast %get3A_305 : vector<16xi32> to vector<16xf32>
            %mul3A_307 = vector.broadcast %squeeze3A_204 : f32 to vector<16xf32>
            %mul3A_308 = arith.mulf %mul3A_307, %bitcast3A_306 : vector<16xf32>
            %mul3A_309 = arith.constant 512 : i32
            %mul3A_310 = arith.muli %add3A_247, %mul3A_309 : i32
            %add3A_311 = vector.broadcast %mul3A_310 : i32 to vector<16xi32>
            %add3A_312 = arith.addi %add3A_311, %add3A_208 : vector<16xi32>
            tpu.vector_store_idx %arg5[%add3A_312], %mul3A_308 masked %ge3A_219 {add = true} : memref<16384xf32, #tpu.memory_space<vmem>>[vector<16xi32>], vector<16xf32>, vector<16xi1>
          } else {
          }
          %sub3A_256 = arith.constant 3 : i32
          %sub3A_257 = arith.subi %sub3A_72, %sub3A_256 : i32
          %add3A_258 = arith.constant 3 : i32
          %add3A_259 = arith.addi %sub3A_257, %add3A_258 : i32
          %ge3A_260 = arith.constant 0 : i32
          %ge3A_261 = arith.cmpi sge, %add3A_259, %ge3A_260 : i32
          %lt3A_262 = arith.constant 32 : i32
          %lt3A_263 = arith.cmpi slt, %add3A_259, %lt3A_262 : i32
          %and3A_264 = arith.andi %ge3A_261, %lt3A_263 : i1
          %convert_element_type3A_265 = arith.extui %and3A_264 : i1 to i32
          %cond3A_266 = arith.constant 0 : i32
          %cond3A_267 = arith.cmpi ne, %convert_element_type3A_265, %cond3A_266 : i32
          scf.if %cond3A_267 {
            %get3A_304 = arith.constant 304 : index
            %get3A_305 = tpu.vector_load %arg4[%get3A_304] {strides = array<i32>} : memref<384xi32, #tpu.memory_space<vmem>>, vector<16xi32>,
            %bitcast3A_306 = vector.bitcast %get3A_305 : vector<16xi32> to vector<16xf32>
            %mul3A_307 = vector.broadcast %squeeze3A_204 : f32 to vector<16xf32>
            %mul3A_308 = arith.mulf %mul3A_307, %bitcast3A_306 : vector<16xf32>
            %mul3A_309 = arith.constant 512 : i32
            %mul3A_310 = arith.muli %add3A_259, %mul3A_309 : i32
            %add3A_311 = vector.broadcast %mul3A_310 : i32 to vector<16xi32>
            %add3A_312 = arith.addi %add3A_311, %add3A_208 : vector<16xi32>
            tpu.vector_store_idx %arg5[%add3A_312], %mul3A_308 masked %ge3A_219 {add = true} : memref<16384xf32, #tpu.memory_space<vmem>>[vector<16xi32>], vector<16xf32>, vector<16xi1>
          } else {
          }
          %sub3A_268 = arith.constant 3 : i32
          %sub3A_269 = arith.subi %sub3A_72, %sub3A_268 : i32
          %add3A_270 = arith.constant 4 : i32
          %add3A_271 = arith.addi %sub3A_269, %add3A_270 : i32
          %ge3A_272 = arith.constant 0 : i32
          %ge3A_273 = arith.cmpi sge, %add3A_271, %ge3A_272 : i32
          %lt3A_274 = arith.constant 32 : i32
          %lt3A_275 = arith.cmpi slt, %add3A_271, %lt3A_274 : i32
          %and3A_276 = arith.andi %ge3A_273, %lt3A_275 : i1
          %convert_element_type3A_277 = arith.extui %and3A_276 : i1 to i32
          %cond3A_278 = arith.constant 0 : i32
          %cond3A_279 = arith.cmpi ne, %convert_element_type3A_277, %cond3A_278 : i32
          scf.if %cond3A_279 {
            %get3A_304 = arith.constant 320 : index
            %get3A_305 = tpu.vector_load %arg4[%get3A_304] {strides = array<i32>} : memref<384xi32, #tpu.memory_space<vmem>>, vector<16xi32>,
            %bitcast3A_306 = vector.bitcast %get3A_305 : vector<16xi32> to vector<16xf32>
            %mul3A_307 = vector.broadcast %squeeze3A_204 : f32 to vector<16xf32>
            %mul3A_308 = arith.mulf %mul3A_307, %bitcast3A_306 : vector<16xf32>
            %mul3A_309 = arith.constant 512 : i32
            %mul3A_310 = arith.muli %add3A_271, %mul3A_309 : i32
            %add3A_311 = vector.broadcast %mul3A_310 : i32 to vector<16xi32>
            %add3A_312 = arith.addi %add3A_311, %add3A_208 : vector<16xi32>
            tpu.vector_store_idx %arg5[%add3A_312], %mul3A_308 masked %ge3A_219 {add = true} : memref<16384xf32, #tpu.memory_space<vmem>>[vector<16xi32>], vector<16xf32>, vector<16xi1>
          } else {
          }
          %sub3A_280 = arith.constant 3 : i32
          %sub3A_281 = arith.subi %sub3A_72, %sub3A_280 : i32
          %add3A_282 = arith.constant 5 : i32
          %add3A_283 = arith.addi %sub3A_281, %add3A_282 : i32
          %ge3A_284 = arith.constant 0 : i32
          %ge3A_285 = arith.cmpi sge, %add3A_283, %ge3A_284 : i32
          %lt3A_286 = arith.constant 32 : i32
          %lt3A_287 = arith.cmpi slt, %add3A_283, %lt3A_286 : i32
          %and3A_288 = arith.andi %ge3A_285, %lt3A_287 : i1
          %convert_element_type3A_289 = arith.extui %and3A_288 : i1 to i32
          %cond3A_290 = arith.constant 0 : i32
          %cond3A_291 = arith.cmpi ne, %convert_element_type3A_289, %cond3A_290 : i32
          scf.if %cond3A_291 {
            %get3A_304 = arith.constant 336 : index
            %get3A_305 = tpu.vector_load %arg4[%get3A_304] {strides = array<i32>} : memref<384xi32, #tpu.memory_space<vmem>>, vector<16xi32>,
            %bitcast3A_306 = vector.bitcast %get3A_305 : vector<16xi32> to vector<16xf32>
            %mul3A_307 = vector.broadcast %squeeze3A_204 : f32 to vector<16xf32>
            %mul3A_308 = arith.mulf %mul3A_307, %bitcast3A_306 : vector<16xf32>
            %mul3A_309 = arith.constant 512 : i32
            %mul3A_310 = arith.muli %add3A_283, %mul3A_309 : i32
            %add3A_311 = vector.broadcast %mul3A_310 : i32 to vector<16xi32>
            %add3A_312 = arith.addi %add3A_311, %add3A_208 : vector<16xi32>
            tpu.vector_store_idx %arg5[%add3A_312], %mul3A_308 masked %ge3A_219 {add = true} : memref<16384xf32, #tpu.memory_space<vmem>>[vector<16xi32>], vector<16xf32>, vector<16xi1>
          } else {
          }
          %sub3A_292 = arith.constant 3 : i32
          %sub3A_293 = arith.subi %sub3A_72, %sub3A_292 : i32
          %add3A_294 = arith.constant 6 : i32
          %add3A_295 = arith.addi %sub3A_293, %add3A_294 : i32
          %ge3A_296 = arith.constant 0 : i32
          %ge3A_297 = arith.cmpi sge, %add3A_295, %ge3A_296 : i32
          %lt3A_298 = arith.constant 32 : i32
          %lt3A_299 = arith.cmpi slt, %add3A_295, %lt3A_298 : i32
          %and3A_300 = arith.andi %ge3A_297, %lt3A_299 : i1
          %convert_element_type3A_301 = arith.extui %and3A_300 : i1 to i32
          %cond3A_302 = arith.constant 0 : i32
          %cond3A_303 = arith.cmpi ne, %convert_element_type3A_301, %cond3A_302 : i32
          scf.if %cond3A_303 {
            %get3A_304 = arith.constant 352 : index
            %get3A_305 = tpu.vector_load %arg4[%get3A_304] {strides = array<i32>} : memref<384xi32, #tpu.memory_space<vmem>>, vector<16xi32>,
            %bitcast3A_306 = vector.bitcast %get3A_305 : vector<16xi32> to vector<16xf32>
            %mul3A_307 = vector.broadcast %squeeze3A_204 : f32 to vector<16xf32>
            %mul3A_308 = arith.mulf %mul3A_307, %bitcast3A_306 : vector<16xf32>
            %mul3A_309 = arith.constant 512 : i32
            %mul3A_310 = arith.muli %add3A_295, %mul3A_309 : i32
            %add3A_311 = vector.broadcast %mul3A_310 : i32 to vector<16xi32>
            %add3A_312 = arith.addi %add3A_311, %add3A_208 : vector<16xi32>
            tpu.vector_store_idx %arg5[%add3A_312], %mul3A_308 masked %ge3A_219 {add = true} : memref<16384xf32, #tpu.memory_space<vmem>>[vector<16xi32>], vector<16xf32>, vector<16xi1>
          } else {
          }
        } else {
        }
      } else {
      }
    }
    %scan3A_19 = arith.constant 64 : i32
    %mul3A_20 = arith.constant 512 : i32
    %mul3A_21 = arith.muli %mul3A_2, %mul3A_20 : i32
    %dma_start3A_22 = arith.constant 0 : i32
    %dma_start3A_23 = tpu.memref_slice %arg3[%dma_start3A_22, %mul3A_21] : memref<2x262144xf32, #tpu.memory_space<hbm>> -> memref<1x16384xf32, #tpu.memory_space<hbm>>
    %dma_start3A_24 = tpu.memref_squeeze %dma_start3A_23 : memref<1x16384xf32, #tpu.memory_space<hbm>> -> memref<16384xf32, #tpu.memory_space<hbm>>
    %dma_start3A_25 = tpu.memref_slice %arg3[%dma_start3A_22, %mul3A_21] : memref<2x262144xf32, #tpu.memory_space<hbm>> -> memref<1x16384xf32, #tpu.memory_space<hbm>>
    %dma_start3A_26 = tpu.memref_squeeze %dma_start3A_25 : memref<1x16384xf32, #tpu.memory_space<hbm>> -> memref<16384xf32, #tpu.memory_space<hbm>>
    tpu.enqueue_dma source(%arg5 : memref<16384xf32, #tpu.memory_space<vmem>>) target(%dma_start3A_26 : memref<16384xf32, #tpu.memory_space<hbm>>) target_semaphore(%arg7 : memref<!tpu.dma_semaphore, #tpu.memory_space<semaphore_mem>>)
    %scan3A_27 = arith.constant 0 : i32
    %scan3A_28 = arith.constant 64 : i32
    %scan3A_29 = arith.constant 64 : i32
    %scan3A_30 = arith.addi %scan3A_28, %scan3A_29 : i32
    %scan3A_31 = arith.constant 2 : i32
    scf.for %scan3A_50 = %scan3A_28 to %scan3A_30 step %scan3A_31  : i32 {
      %get3A = arith.index_cast %scan3A_50 : i32 to index
      %get3A_51 = tpu.vector_load %arg4[%get3A] {strides = array<i32>} : memref<384xi32, #tpu.memory_space<vmem>>, vector<16xi32>,
      %slice3A = vector.extract_strided_slice %get3A_51 {offsets = [0], sizes = [1], strides = [1]} : vector<16xi32> to vector<1xi32>
      %squeeze3A = vector.extract %slice3A[0] : i32 from vector<1xi32>
      %shift_right_arithmetic3A = arith.constant 9 : i32
      %shift_right_arithmetic3A_52 = arith.shrsi %squeeze3A, %shift_right_arithmetic3A : i32
      %and3A = arith.constant 511 : i32
      %and3A_53 = arith.andi %squeeze3A, %and3A : i32
      %sub3A = arith.subi %shift_right_arithmetic3A_52, %mul3A_2 : i32
      %add3A_54 = arith.constant 3 : i32
      %add3A_55 = arith.addi %shift_right_arithmetic3A_52, %add3A_54 : i32
      %ge3A = arith.cmpi sge, %add3A_55, %mul3A_2 : i32
      %sub3A_56 = arith.constant 3 : i32
      %sub3A_57 = arith.subi %shift_right_arithmetic3A_52, %sub3A_56 : i32
      %add3A_58 = arith.constant 32 : i32
      %add3A_59 = arith.addi %mul3A_2, %add3A_58 : i32
      %lt3A = arith.cmpi slt, %sub3A_57, %add3A_59 : i32
      %and3A_60 = arith.andi %ge3A, %lt3A : i1
      %convert_element_type3A = arith.extui %and3A_60 : i1 to i32
      %cond3A = arith.constant 0 : i32
      %cond3A_61 = arith.cmpi ne, %convert_element_type3A, %cond3A : i32
      scf.if %cond3A_61 {
        %iota3A = tpu.iota {dimensions = array<i32: 0>} : vector<16xi32>
        %broadcast_in_dim3A = arith.constant 0 : i32
        %broadcast_in_dim3A_85 = vector.broadcast %broadcast_in_dim3A : i32 to vector<16xi32>
        %get3A_86 = arith.constant 0 : index
        %get3A_87 = tpu.vector_load %arg4[%get3A_86] {strides = array<i32>} : memref<384xi32, #tpu.memory_space<vmem>>, vector<16xi32>,
        %add3A_88 = arith.constant 0 : i32
        %add3A_89 = vector.broadcast %add3A_88 : i32 to vector<16xi32>
        %add3A_90 = arith.addi %add3A_89, %iota3A : vector<16xi32>
        %eq3A = vector.broadcast %squeeze3A : i32 to vector<16xi32>
        %eq3A_91 = arith.cmpi eq, %get3A_87, %eq3A : vector<16xi32>
        %sub3A_92 = vector.broadcast %scan3A_50 : i32 to vector<16xi32>
        %sub3A_93 = arith.subi %sub3A_92, %add3A_90 : vector<16xi32>
        %jit3A = arith.constant 0 : i32
        %broadcast_in_dim3A_94 = vector.broadcast %jit3A : i32 to vector<16xi32>
        %select_n3A = arith.select %eq3A_91, %sub3A_93, %broadcast_in_dim3A_94 : vector<16xi1>, vector<16xi32>
        %or3A = arith.ori %broadcast_in_dim3A_85, %select_n3A : vector<16xi32>
        %get3A_95 = arith.constant 16 : index
        %get3A_96 = tpu.vector_load %arg4[%get3A_95] {strides = array<i32>} : memref<384xi32, #tpu.memory_space<vmem>>, vector<16xi32>,
        %add3A_97 = arith.constant 16 : i32
        %add3A_98 = vector.broadcast %add3A_97 : i32 to vector<16xi32>
        %add3A_99 = arith.addi %add3A_98, %iota3A : vector<16xi32>
        %eq3A_100 = vector.broadcast %squeeze3A : i32 to vector<16xi32>
        %eq3A_101 = arith.cmpi eq, %get3A_96, %eq3A_100 : vector<16xi32>
        %sub3A_102 = vector.broadcast %scan3A_50 : i32 to vector<16xi32>
        %sub3A_103 = arith.subi %sub3A_102, %add3A_99 : vector<16xi32>
        %jit3A_104 = arith.constant 0 : i32
        %broadcast_in_dim3A_105 = vector.broadcast %jit3A_104 : i32 to vector<16xi32>
        %select_n3A_106 = arith.select %eq3A_101, %sub3A_103, %broadcast_in_dim3A_105 : vector<16xi1>, vector<16xi32>
        %or3A_107 = arith.ori %or3A, %select_n3A_106 : vector<16xi32>
        %get3A_108 = arith.constant 32 : index
        %get3A_109 = tpu.vector_load %arg4[%get3A_108] {strides = array<i32>} : memref<384xi32, #tpu.memory_space<vmem>>, vector<16xi32>,
        %add3A_110 = arith.constant 32 : i32
        %add3A_111 = vector.broadcast %add3A_110 : i32 to vector<16xi32>
        %add3A_112 = arith.addi %add3A_111, %iota3A : vector<16xi32>
        %eq3A_113 = vector.broadcast %squeeze3A : i32 to vector<16xi32>
        %eq3A_114 = arith.cmpi eq, %get3A_109, %eq3A_113 : vector<16xi32>
        %sub3A_115 = vector.broadcast %scan3A_50 : i32 to vector<16xi32>
        %sub3A_116 = arith.subi %sub3A_115, %add3A_112 : vector<16xi32>
        %jit3A_117 = arith.constant 0 : i32
        %broadcast_in_dim3A_118 = vector.broadcast %jit3A_117 : i32 to vector<16xi32>
        %select_n3A_119 = arith.select %eq3A_114, %sub3A_116, %broadcast_in_dim3A_118 : vector<16xi1>, vector<16xi32>
        %or3A_120 = arith.ori %or3A_107, %select_n3A_119 : vector<16xi32>
        %get3A_121 = arith.constant 48 : index
        %get3A_122 = tpu.vector_load %arg4[%get3A_121] {strides = array<i32>} : memref<384xi32, #tpu.memory_space<vmem>>, vector<16xi32>,
        %add3A_123 = arith.constant 48 : i32
        %add3A_124 = vector.broadcast %add3A_123 : i32 to vector<16xi32>
        %add3A_125 = arith.addi %add3A_124, %iota3A : vector<16xi32>
        %eq3A_126 = vector.broadcast %squeeze3A : i32 to vector<16xi32>
        %eq3A_127 = arith.cmpi eq, %get3A_122, %eq3A_126 : vector<16xi32>
        %sub3A_128 = vector.broadcast %scan3A_50 : i32 to vector<16xi32>
        %sub3A_129 = arith.subi %sub3A_128, %add3A_125 : vector<16xi32>
        %jit3A_130 = arith.constant 0 : i32
        %broadcast_in_dim3A_131 = vector.broadcast %jit3A_130 : i32 to vector<16xi32>
        %select_n3A_132 = arith.select %eq3A_127, %sub3A_129, %broadcast_in_dim3A_131 : vector<16xi1>, vector<16xi32>
        %or3A_133 = arith.ori %or3A_120, %select_n3A_132 : vector<16xi32>
        %get3A_134 = arith.constant 64 : index
        %get3A_135 = tpu.vector_load %arg4[%get3A_134] {strides = array<i32>} : memref<384xi32, #tpu.memory_space<vmem>>, vector<16xi32>,
        %add3A_136 = arith.constant 64 : i32
        %add3A_137 = vector.broadcast %add3A_136 : i32 to vector<16xi32>
        %add3A_138 = arith.addi %add3A_137, %iota3A : vector<16xi32>
        %eq3A_139 = vector.broadcast %squeeze3A : i32 to vector<16xi32>
        %eq3A_140 = arith.cmpi eq, %get3A_135, %eq3A_139 : vector<16xi32>
        %sub3A_141 = vector.broadcast %scan3A_50 : i32 to vector<16xi32>
        %sub3A_142 = arith.subi %sub3A_141, %add3A_138 : vector<16xi32>
        %jit3A_143 = arith.constant 0 : i32
        %broadcast_in_dim3A_144 = vector.broadcast %jit3A_143 : i32 to vector<16xi32>
        %select_n3A_145 = arith.select %eq3A_140, %sub3A_142, %broadcast_in_dim3A_144 : vector<16xi1>, vector<16xi32>
        %or3A_146 = arith.ori %or3A_133, %select_n3A_145 : vector<16xi32>
        %get3A_147 = arith.constant 80 : index
        %get3A_148 = tpu.vector_load %arg4[%get3A_147] {strides = array<i32>} : memref<384xi32, #tpu.memory_space<vmem>>, vector<16xi32>,
        %add3A_149 = arith.constant 80 : i32
        %add3A_150 = vector.broadcast %add3A_149 : i32 to vector<16xi32>
        %add3A_151 = arith.addi %add3A_150, %iota3A : vector<16xi32>
        %eq3A_152 = vector.broadcast %squeeze3A : i32 to vector<16xi32>
        %eq3A_153 = arith.cmpi eq, %get3A_148, %eq3A_152 : vector<16xi32>
        %sub3A_154 = vector.broadcast %scan3A_50 : i32 to vector<16xi32>
        %sub3A_155 = arith.subi %sub3A_154, %add3A_151 : vector<16xi32>
        %jit3A_156 = arith.constant 0 : i32
        %broadcast_in_dim3A_157 = vector.broadcast %jit3A_156 : i32 to vector<16xi32>
        %select_n3A_158 = arith.select %eq3A_153, %sub3A_155, %broadcast_in_dim3A_157 : vector<16xi1>, vector<16xi32>
        %or3A_159 = arith.ori %or3A_146, %select_n3A_158 : vector<16xi32>
        %get3A_160 = arith.constant 96 : index
        %get3A_161 = tpu.vector_load %arg4[%get3A_160] {strides = array<i32>} : memref<384xi32, #tpu.memory_space<vmem>>, vector<16xi32>,
        %add3A_162 = arith.constant 96 : i32
        %add3A_163 = vector.broadcast %add3A_162 : i32 to vector<16xi32>
        %add3A_164 = arith.addi %add3A_163, %iota3A : vector<16xi32>
        %eq3A_165 = vector.broadcast %squeeze3A : i32 to vector<16xi32>
        %eq3A_166 = arith.cmpi eq, %get3A_161, %eq3A_165 : vector<16xi32>
        %sub3A_167 = vector.broadcast %scan3A_50 : i32 to vector<16xi32>
        %sub3A_168 = arith.subi %sub3A_167, %add3A_164 : vector<16xi32>
        %jit3A_169 = arith.constant 0 : i32
        %broadcast_in_dim3A_170 = vector.broadcast %jit3A_169 : i32 to vector<16xi32>
        %select_n3A_171 = arith.select %eq3A_166, %sub3A_168, %broadcast_in_dim3A_170 : vector<16xi1>, vector<16xi32>
        %or3A_172 = arith.ori %or3A_159, %select_n3A_171 : vector<16xi32>
        %get3A_173 = arith.constant 112 : index
        %get3A_174 = tpu.vector_load %arg4[%get3A_173] {strides = array<i32>} : memref<384xi32, #tpu.memory_space<vmem>>, vector<16xi32>,
        %add3A_175 = arith.constant 112 : i32
        %add3A_176 = vector.broadcast %add3A_175 : i32 to vector<16xi32>
        %add3A_177 = arith.addi %add3A_176, %iota3A : vector<16xi32>
        %eq3A_178 = vector.broadcast %squeeze3A : i32 to vector<16xi32>
        %eq3A_179 = arith.cmpi eq, %get3A_174, %eq3A_178 : vector<16xi32>
        %sub3A_180 = vector.broadcast %scan3A_50 : i32 to vector<16xi32>
        %sub3A_181 = arith.subi %sub3A_180, %add3A_177 : vector<16xi32>
        %jit3A_182 = arith.constant 0 : i32
        %broadcast_in_dim3A_183 = vector.broadcast %jit3A_182 : i32 to vector<16xi32>
        %select_n3A_184 = arith.select %eq3A_179, %sub3A_181, %broadcast_in_dim3A_183 : vector<16xi1>, vector<16xi32>
        %or3A_185 = arith.ori %or3A_172, %select_n3A_184 : vector<16xi32>
        %reduce_min3A = arith.constant true
        %reduce_min3A_186 = vector.broadcast %reduce_min3A : i1 to vector<16xi1>
        %reduce_min3A_187 = arith.constant -2147483648 : i32
        %reduce_min3A_188 = vector.broadcast %reduce_min3A_187 : i32 to vector<16xi32>
        %reduce_min3A_189 = arith.xori %or3A_185, %reduce_min3A_188 : vector<16xi32>
        %reduce_min3A_190 = tpu.scan <min>, %reduce_min3A_189 masked %reduce_min3A_186 : vector<16xi32>, vector<16xi1> -> vector<16xi32>
        %reduce_min3A_191 = arith.xori %reduce_min3A_190, %reduce_min3A_188 : vector<16xi32>
        %reduce_min3A_192 = vector.extract %reduce_min3A_191[15] : i32 from vector<16xi32>
        %ge3A_193 = arith.constant 0 : i32
        %ge3A_194 = arith.cmpi sge, %reduce_min3A_192, %ge3A_193 : i32
        %convert_element_type3A_195 = arith.extui %ge3A_194 : i1 to i32
        %cond3A_196 = arith.constant 0 : i32
        %cond3A_197 = arith.cmpi ne, %convert_element_type3A_195, %cond3A_196 : i32
        scf.if %cond3A_197 {
          %iota3A_198 = tpu.iota {dimensions = array<i32: 0>} : vector<16xi32>
          %add3A_199 = arith.constant 128 : i32
          %add3A_200 = arith.addi %add3A_199, %scan3A_50 : i32
          %get3A_201 = arith.index_cast %add3A_200 : i32 to index
          %get3A_202 = tpu.vector_load %arg4[%get3A_201] {strides = array<i32>} : memref<384xi32, #tpu.memory_space<vmem>>, vector<16xi32>,
          %bitcast3A = vector.bitcast %get3A_202 : vector<16xi32> to vector<16xf32>
          %slice3A_203 = vector.extract_strided_slice %bitcast3A {offsets = [0], sizes = [1], strides = [1]} : vector<16xf32> to vector<1xf32>
          %squeeze3A_204 = vector.extract %slice3A_203[0] : f32 from vector<1xf32>
          %sub3A_205 = arith.constant 3 : i32
          %sub3A_206 = arith.subi %and3A_53, %sub3A_205 : i32
          %add3A_207 = vector.broadcast %sub3A_206 : i32 to vector<16xi32>
          %add3A_208 = arith.addi %add3A_207, %iota3A_198 : vector<16xi32>
          %sub3A_209 = arith.constant 511 : i32
          %sub3A_210 = vector.broadcast %sub3A_209 : i32 to vector<16xi32>
          %sub3A_211 = arith.subi %sub3A_210, %add3A_208 : vector<16xi32>
          %or3A_212 = arith.ori %add3A_208, %sub3A_211 : vector<16xi32>
          %sub3A_213 = arith.constant 6 : i32
          %sub3A_214 = vector.broadcast %sub3A_213 : i32 to vector<16xi32>
          %sub3A_215 = arith.subi %sub3A_214, %iota3A_198 : vector<16xi32>
          %or3A_216 = arith.ori %or3A_212, %sub3A_215 : vector<16xi32>
          %ge3A_217 = arith.constant 0 : i32
          %ge3A_218 = vector.broadcast %ge3A_217 : i32 to vector<16xi32>
          %ge3A_219 = arith.cmpi sge, %or3A_216, %ge3A_218 : vector<16xi32>
          %sub3A_220 = arith.constant 3 : i32
          %sub3A_221 = arith.subi %sub3A, %sub3A_220 : i32
          %add3A_222 = arith.constant 0 : i32
          %add3A_223 = arith.addi %sub3A_221, %add3A_222 : i32
          %ge3A_224 = arith.constant 0 : i32
          %ge3A_225 = arith.cmpi sge, %add3A_223, %ge3A_224 : i32
          %lt3A_226 = arith.constant 32 : i32
          %lt3A_227 = arith.cmpi slt, %add3A_223, %lt3A_226 : i32
          %and3A_228 = arith.andi %ge3A_225, %lt3A_227 : i1
          %convert_element_type3A_229 = arith.extui %and3A_228 : i1 to i32
          %cond3A_230 = arith.constant 0 : i32
          %cond3A_231 = arith.cmpi ne, %convert_element_type3A_229, %cond3A_230 : i32
          scf.if %cond3A_231 {
            %get3A_304 = arith.constant 256 : index
            %get3A_305 = tpu.vector_load %arg4[%get3A_304] {strides = array<i32>} : memref<384xi32, #tpu.memory_space<vmem>>, vector<16xi32>,
            %bitcast3A_306 = vector.bitcast %get3A_305 : vector<16xi32> to vector<16xf32>
            %mul3A_307 = vector.broadcast %squeeze3A_204 : f32 to vector<16xf32>
            %mul3A_308 = arith.mulf %mul3A_307, %bitcast3A_306 : vector<16xf32>
            %mul3A_309 = arith.constant 512 : i32
            %mul3A_310 = arith.muli %add3A_223, %mul3A_309 : i32
            %add3A_311 = vector.broadcast %mul3A_310 : i32 to vector<16xi32>
            %add3A_312 = arith.addi %add3A_311, %add3A_208 : vector<16xi32>
            tpu.vector_store_idx %arg6[%add3A_312], %mul3A_308 masked %ge3A_219 {add = true} : memref<16384xf32, #tpu.memory_space<vmem>>[vector<16xi32>], vector<16xf32>, vector<16xi1>
          } else {
          }
          %sub3A_232 = arith.constant 3 : i32
          %sub3A_233 = arith.subi %sub3A, %sub3A_232 : i32
          %add3A_234 = arith.constant 1 : i32
          %add3A_235 = arith.addi %sub3A_233, %add3A_234 : i32
          %ge3A_236 = arith.constant 0 : i32
          %ge3A_237 = arith.cmpi sge, %add3A_235, %ge3A_236 : i32
          %lt3A_238 = arith.constant 32 : i32
          %lt3A_239 = arith.cmpi slt, %add3A_235, %lt3A_238 : i32
          %and3A_240 = arith.andi %ge3A_237, %lt3A_239 : i1
          %convert_element_type3A_241 = arith.extui %and3A_240 : i1 to i32
          %cond3A_242 = arith.constant 0 : i32
          %cond3A_243 = arith.cmpi ne, %convert_element_type3A_241, %cond3A_242 : i32
          scf.if %cond3A_243 {
            %get3A_304 = arith.constant 272 : index
            %get3A_305 = tpu.vector_load %arg4[%get3A_304] {strides = array<i32>} : memref<384xi32, #tpu.memory_space<vmem>>, vector<16xi32>,
            %bitcast3A_306 = vector.bitcast %get3A_305 : vector<16xi32> to vector<16xf32>
            %mul3A_307 = vector.broadcast %squeeze3A_204 : f32 to vector<16xf32>
            %mul3A_308 = arith.mulf %mul3A_307, %bitcast3A_306 : vector<16xf32>
            %mul3A_309 = arith.constant 512 : i32
            %mul3A_310 = arith.muli %add3A_235, %mul3A_309 : i32
            %add3A_311 = vector.broadcast %mul3A_310 : i32 to vector<16xi32>
            %add3A_312 = arith.addi %add3A_311, %add3A_208 : vector<16xi32>
            tpu.vector_store_idx %arg6[%add3A_312], %mul3A_308 masked %ge3A_219 {add = true} : memref<16384xf32, #tpu.memory_space<vmem>>[vector<16xi32>], vector<16xf32>, vector<16xi1>
          } else {
          }
          %sub3A_244 = arith.constant 3 : i32
          %sub3A_245 = arith.subi %sub3A, %sub3A_244 : i32
          %add3A_246 = arith.constant 2 : i32
          %add3A_247 = arith.addi %sub3A_245, %add3A_246 : i32
          %ge3A_248 = arith.constant 0 : i32
          %ge3A_249 = arith.cmpi sge, %add3A_247, %ge3A_248 : i32
          %lt3A_250 = arith.constant 32 : i32
          %lt3A_251 = arith.cmpi slt, %add3A_247, %lt3A_250 : i32
          %and3A_252 = arith.andi %ge3A_249, %lt3A_251 : i1
          %convert_element_type3A_253 = arith.extui %and3A_252 : i1 to i32
          %cond3A_254 = arith.constant 0 : i32
          %cond3A_255 = arith.cmpi ne, %convert_element_type3A_253, %cond3A_254 : i32
          scf.if %cond3A_255 {
            %get3A_304 = arith.constant 288 : index
            %get3A_305 = tpu.vector_load %arg4[%get3A_304] {strides = array<i32>} : memref<384xi32, #tpu.memory_space<vmem>>, vector<16xi32>,
            %bitcast3A_306 = vector.bitcast %get3A_305 : vector<16xi32> to vector<16xf32>
            %mul3A_307 = vector.broadcast %squeeze3A_204 : f32 to vector<16xf32>
            %mul3A_308 = arith.mulf %mul3A_307, %bitcast3A_306 : vector<16xf32>
            %mul3A_309 = arith.constant 512 : i32
            %mul3A_310 = arith.muli %add3A_247, %mul3A_309 : i32
            %add3A_311 = vector.broadcast %mul3A_310 : i32 to vector<16xi32>
            %add3A_312 = arith.addi %add3A_311, %add3A_208 : vector<16xi32>
            tpu.vector_store_idx %arg6[%add3A_312], %mul3A_308 masked %ge3A_219 {add = true} : memref<16384xf32, #tpu.memory_space<vmem>>[vector<16xi32>], vector<16xf32>, vector<16xi1>
          } else {
          }
          %sub3A_256 = arith.constant 3 : i32
          %sub3A_257 = arith.subi %sub3A, %sub3A_256 : i32
          %add3A_258 = arith.constant 3 : i32
          %add3A_259 = arith.addi %sub3A_257, %add3A_258 : i32
          %ge3A_260 = arith.constant 0 : i32
          %ge3A_261 = arith.cmpi sge, %add3A_259, %ge3A_260 : i32
          %lt3A_262 = arith.constant 32 : i32
          %lt3A_263 = arith.cmpi slt, %add3A_259, %lt3A_262 : i32
          %and3A_264 = arith.andi %ge3A_261, %lt3A_263 : i1
          %convert_element_type3A_265 = arith.extui %and3A_264 : i1 to i32
          %cond3A_266 = arith.constant 0 : i32
          %cond3A_267 = arith.cmpi ne, %convert_element_type3A_265, %cond3A_266 : i32
          scf.if %cond3A_267 {
            %get3A_304 = arith.constant 304 : index
            %get3A_305 = tpu.vector_load %arg4[%get3A_304] {strides = array<i32>} : memref<384xi32, #tpu.memory_space<vmem>>, vector<16xi32>,
            %bitcast3A_306 = vector.bitcast %get3A_305 : vector<16xi32> to vector<16xf32>
            %mul3A_307 = vector.broadcast %squeeze3A_204 : f32 to vector<16xf32>
            %mul3A_308 = arith.mulf %mul3A_307, %bitcast3A_306 : vector<16xf32>
            %mul3A_309 = arith.constant 512 : i32
            %mul3A_310 = arith.muli %add3A_259, %mul3A_309 : i32
            %add3A_311 = vector.broadcast %mul3A_310 : i32 to vector<16xi32>
            %add3A_312 = arith.addi %add3A_311, %add3A_208 : vector<16xi32>
            tpu.vector_store_idx %arg6[%add3A_312], %mul3A_308 masked %ge3A_219 {add = true} : memref<16384xf32, #tpu.memory_space<vmem>>[vector<16xi32>], vector<16xf32>, vector<16xi1>
          } else {
          }
          %sub3A_268 = arith.constant 3 : i32
          %sub3A_269 = arith.subi %sub3A, %sub3A_268 : i32
          %add3A_270 = arith.constant 4 : i32
          %add3A_271 = arith.addi %sub3A_269, %add3A_270 : i32
          %ge3A_272 = arith.constant 0 : i32
          %ge3A_273 = arith.cmpi sge, %add3A_271, %ge3A_272 : i32
          %lt3A_274 = arith.constant 32 : i32
          %lt3A_275 = arith.cmpi slt, %add3A_271, %lt3A_274 : i32
          %and3A_276 = arith.andi %ge3A_273, %lt3A_275 : i1
          %convert_element_type3A_277 = arith.extui %and3A_276 : i1 to i32
          %cond3A_278 = arith.constant 0 : i32
          %cond3A_279 = arith.cmpi ne, %convert_element_type3A_277, %cond3A_278 : i32
          scf.if %cond3A_279 {
            %get3A_304 = arith.constant 320 : index
            %get3A_305 = tpu.vector_load %arg4[%get3A_304] {strides = array<i32>} : memref<384xi32, #tpu.memory_space<vmem>>, vector<16xi32>,
            %bitcast3A_306 = vector.bitcast %get3A_305 : vector<16xi32> to vector<16xf32>
            %mul3A_307 = vector.broadcast %squeeze3A_204 : f32 to vector<16xf32>
            %mul3A_308 = arith.mulf %mul3A_307, %bitcast3A_306 : vector<16xf32>
            %mul3A_309 = arith.constant 512 : i32
            %mul3A_310 = arith.muli %add3A_271, %mul3A_309 : i32
            %add3A_311 = vector.broadcast %mul3A_310 : i32 to vector<16xi32>
            %add3A_312 = arith.addi %add3A_311, %add3A_208 : vector<16xi32>
            tpu.vector_store_idx %arg6[%add3A_312], %mul3A_308 masked %ge3A_219 {add = true} : memref<16384xf32, #tpu.memory_space<vmem>>[vector<16xi32>], vector<16xf32>, vector<16xi1>
          } else {
          }
          %sub3A_280 = arith.constant 3 : i32
          %sub3A_281 = arith.subi %sub3A, %sub3A_280 : i32
          %add3A_282 = arith.constant 5 : i32
          %add3A_283 = arith.addi %sub3A_281, %add3A_282 : i32
          %ge3A_284 = arith.constant 0 : i32
          %ge3A_285 = arith.cmpi sge, %add3A_283, %ge3A_284 : i32
          %lt3A_286 = arith.constant 32 : i32
          %lt3A_287 = arith.cmpi slt, %add3A_283, %lt3A_286 : i32
          %and3A_288 = arith.andi %ge3A_285, %lt3A_287 : i1
          %convert_element_type3A_289 = arith.extui %and3A_288 : i1 to i32
          %cond3A_290 = arith.constant 0 : i32
          %cond3A_291 = arith.cmpi ne, %convert_element_type3A_289, %cond3A_290 : i32
          scf.if %cond3A_291 {
            %get3A_304 = arith.constant 336 : index
            %get3A_305 = tpu.vector_load %arg4[%get3A_304] {strides = array<i32>} : memref<384xi32, #tpu.memory_space<vmem>>, vector<16xi32>,
            %bitcast3A_306 = vector.bitcast %get3A_305 : vector<16xi32> to vector<16xf32>
            %mul3A_307 = vector.broadcast %squeeze3A_204 : f32 to vector<16xf32>
            %mul3A_308 = arith.mulf %mul3A_307, %bitcast3A_306 : vector<16xf32>
            %mul3A_309 = arith.constant 512 : i32
            %mul3A_310 = arith.muli %add3A_283, %mul3A_309 : i32
            %add3A_311 = vector.broadcast %mul3A_310 : i32 to vector<16xi32>
            %add3A_312 = arith.addi %add3A_311, %add3A_208 : vector<16xi32>
            tpu.vector_store_idx %arg6[%add3A_312], %mul3A_308 masked %ge3A_219 {add = true} : memref<16384xf32, #tpu.memory_space<vmem>>[vector<16xi32>], vector<16xf32>, vector<16xi1>
          } else {
          }
          %sub3A_292 = arith.constant 3 : i32
          %sub3A_293 = arith.subi %sub3A, %sub3A_292 : i32
          %add3A_294 = arith.constant 6 : i32
          %add3A_295 = arith.addi %sub3A_293, %add3A_294 : i32
          %ge3A_296 = arith.constant 0 : i32
          %ge3A_297 = arith.cmpi sge, %add3A_295, %ge3A_296 : i32
          %lt3A_298 = arith.constant 32 : i32
          %lt3A_299 = arith.cmpi slt, %add3A_295, %lt3A_298 : i32
          %and3A_300 = arith.andi %ge3A_297, %lt3A_299 : i1
          %convert_element_type3A_301 = arith.extui %and3A_300 : i1 to i32
          %cond3A_302 = arith.constant 0 : i32
          %cond3A_303 = arith.cmpi ne, %convert_element_type3A_301, %cond3A_302 : i32
          scf.if %cond3A_303 {
            %get3A_304 = arith.constant 352 : index
            %get3A_305 = tpu.vector_load %arg4[%get3A_304] {strides = array<i32>} : memref<384xi32, #tpu.memory_space<vmem>>, vector<16xi32>,
            %bitcast3A_306 = vector.bitcast %get3A_305 : vector<16xi32> to vector<16xf32>
            %mul3A_307 = vector.broadcast %squeeze3A_204 : f32 to vector<16xf32>
            %mul3A_308 = arith.mulf %mul3A_307, %bitcast3A_306 : vector<16xf32>
            %mul3A_309 = arith.constant 512 : i32
            %mul3A_310 = arith.muli %add3A_295, %mul3A_309 : i32
            %add3A_311 = vector.broadcast %mul3A_310 : i32 to vector<16xi32>
            %add3A_312 = arith.addi %add3A_311, %add3A_208 : vector<16xi32>
            tpu.vector_store_idx %arg6[%add3A_312], %mul3A_308 masked %ge3A_219 {add = true} : memref<16384xf32, #tpu.memory_space<vmem>>[vector<16xi32>], vector<16xf32>, vector<16xi1>
          } else {
          }
        } else {
        }
      } else {
      }
      %scan3A_62 = arith.constant 1 : i32
      %scan3A_63 = arith.addi %scan3A_50, %scan3A_62 : i32
      %get3A_64 = arith.index_cast %scan3A_63 : i32 to index
      %get3A_65 = tpu.vector_load %arg4[%get3A_64] {strides = array<i32>} : memref<384xi32, #tpu.memory_space<vmem>>, vector<16xi32>,
      %slice3A_66 = vector.extract_strided_slice %get3A_65 {offsets = [0], sizes = [1], strides = [1]} : vector<16xi32> to vector<1xi32>
      %squeeze3A_67 = vector.extract %slice3A_66[0] : i32 from vector<1xi32>
      %shift_right_arithmetic3A_68 = arith.constant 9 : i32
      %shift_right_arithmetic3A_69 = arith.shrsi %squeeze3A_67, %shift_right_arithmetic3A_68 : i32
      %and3A_70 = arith.constant 511 : i32
      %and3A_71 = arith.andi %squeeze3A_67, %and3A_70 : i32
      %sub3A_72 = arith.subi %shift_right_arithmetic3A_69, %mul3A_2 : i32
      %add3A_73 = arith.constant 3 : i32
      %add3A_74 = arith.addi %shift_right_arithmetic3A_69, %add3A_73 : i32
      %ge3A_75 = arith.cmpi sge, %add3A_74, %mul3A_2 : i32
      %sub3A_76 = arith.constant 3 : i32
      %sub3A_77 = arith.subi %shift_right_arithmetic3A_69, %sub3A_76 : i32
      %add3A_78 = arith.constant 32 : i32
      %add3A_79 = arith.addi %mul3A_2, %add3A_78 : i32
      %lt3A_80 = arith.cmpi slt, %sub3A_77, %add3A_79 : i32
      %and3A_81 = arith.andi %ge3A_75, %lt3A_80 : i1
      %convert_element_type3A_82 = arith.extui %and3A_81 : i1 to i32
      %cond3A_83 = arith.constant 0 : i32
      %cond3A_84 = arith.cmpi ne, %convert_element_type3A_82, %cond3A_83 : i32
      scf.if %cond3A_84 {
        %iota3A = tpu.iota {dimensions = array<i32: 0>} : vector<16xi32>
        %broadcast_in_dim3A = arith.constant 0 : i32
        %broadcast_in_dim3A_85 = vector.broadcast %broadcast_in_dim3A : i32 to vector<16xi32>
        %get3A_86 = arith.constant 0 : index
        %get3A_87 = tpu.vector_load %arg4[%get3A_86] {strides = array<i32>} : memref<384xi32, #tpu.memory_space<vmem>>, vector<16xi32>,
        %add3A_88 = arith.constant 0 : i32
        %add3A_89 = vector.broadcast %add3A_88 : i32 to vector<16xi32>
        %add3A_90 = arith.addi %add3A_89, %iota3A : vector<16xi32>
        %eq3A = vector.broadcast %squeeze3A_67 : i32 to vector<16xi32>
        %eq3A_91 = arith.cmpi eq, %get3A_87, %eq3A : vector<16xi32>
        %sub3A_92 = vector.broadcast %scan3A_63 : i32 to vector<16xi32>
        %sub3A_93 = arith.subi %sub3A_92, %add3A_90 : vector<16xi32>
        %jit3A = arith.constant 0 : i32
        %broadcast_in_dim3A_94 = vector.broadcast %jit3A : i32 to vector<16xi32>
        %select_n3A = arith.select %eq3A_91, %sub3A_93, %broadcast_in_dim3A_94 : vector<16xi1>, vector<16xi32>
        %or3A = arith.ori %broadcast_in_dim3A_85, %select_n3A : vector<16xi32>
        %get3A_95 = arith.constant 16 : index
        %get3A_96 = tpu.vector_load %arg4[%get3A_95] {strides = array<i32>} : memref<384xi32, #tpu.memory_space<vmem>>, vector<16xi32>,
        %add3A_97 = arith.constant 16 : i32
        %add3A_98 = vector.broadcast %add3A_97 : i32 to vector<16xi32>
        %add3A_99 = arith.addi %add3A_98, %iota3A : vector<16xi32>
        %eq3A_100 = vector.broadcast %squeeze3A_67 : i32 to vector<16xi32>
        %eq3A_101 = arith.cmpi eq, %get3A_96, %eq3A_100 : vector<16xi32>
        %sub3A_102 = vector.broadcast %scan3A_63 : i32 to vector<16xi32>
        %sub3A_103 = arith.subi %sub3A_102, %add3A_99 : vector<16xi32>
        %jit3A_104 = arith.constant 0 : i32
        %broadcast_in_dim3A_105 = vector.broadcast %jit3A_104 : i32 to vector<16xi32>
        %select_n3A_106 = arith.select %eq3A_101, %sub3A_103, %broadcast_in_dim3A_105 : vector<16xi1>, vector<16xi32>
        %or3A_107 = arith.ori %or3A, %select_n3A_106 : vector<16xi32>
        %get3A_108 = arith.constant 32 : index
        %get3A_109 = tpu.vector_load %arg4[%get3A_108] {strides = array<i32>} : memref<384xi32, #tpu.memory_space<vmem>>, vector<16xi32>,
        %add3A_110 = arith.constant 32 : i32
        %add3A_111 = vector.broadcast %add3A_110 : i32 to vector<16xi32>
        %add3A_112 = arith.addi %add3A_111, %iota3A : vector<16xi32>
        %eq3A_113 = vector.broadcast %squeeze3A_67 : i32 to vector<16xi32>
        %eq3A_114 = arith.cmpi eq, %get3A_109, %eq3A_113 : vector<16xi32>
        %sub3A_115 = vector.broadcast %scan3A_63 : i32 to vector<16xi32>
        %sub3A_116 = arith.subi %sub3A_115, %add3A_112 : vector<16xi32>
        %jit3A_117 = arith.constant 0 : i32
        %broadcast_in_dim3A_118 = vector.broadcast %jit3A_117 : i32 to vector<16xi32>
        %select_n3A_119 = arith.select %eq3A_114, %sub3A_116, %broadcast_in_dim3A_118 : vector<16xi1>, vector<16xi32>
        %or3A_120 = arith.ori %or3A_107, %select_n3A_119 : vector<16xi32>
        %get3A_121 = arith.constant 48 : index
        %get3A_122 = tpu.vector_load %arg4[%get3A_121] {strides = array<i32>} : memref<384xi32, #tpu.memory_space<vmem>>, vector<16xi32>,
        %add3A_123 = arith.constant 48 : i32
        %add3A_124 = vector.broadcast %add3A_123 : i32 to vector<16xi32>
        %add3A_125 = arith.addi %add3A_124, %iota3A : vector<16xi32>
        %eq3A_126 = vector.broadcast %squeeze3A_67 : i32 to vector<16xi32>
        %eq3A_127 = arith.cmpi eq, %get3A_122, %eq3A_126 : vector<16xi32>
        %sub3A_128 = vector.broadcast %scan3A_63 : i32 to vector<16xi32>
        %sub3A_129 = arith.subi %sub3A_128, %add3A_125 : vector<16xi32>
        %jit3A_130 = arith.constant 0 : i32
        %broadcast_in_dim3A_131 = vector.broadcast %jit3A_130 : i32 to vector<16xi32>
        %select_n3A_132 = arith.select %eq3A_127, %sub3A_129, %broadcast_in_dim3A_131 : vector<16xi1>, vector<16xi32>
        %or3A_133 = arith.ori %or3A_120, %select_n3A_132 : vector<16xi32>
        %get3A_134 = arith.constant 64 : index
        %get3A_135 = tpu.vector_load %arg4[%get3A_134] {strides = array<i32>} : memref<384xi32, #tpu.memory_space<vmem>>, vector<16xi32>,
        %add3A_136 = arith.constant 64 : i32
        %add3A_137 = vector.broadcast %add3A_136 : i32 to vector<16xi32>
        %add3A_138 = arith.addi %add3A_137, %iota3A : vector<16xi32>
        %eq3A_139 = vector.broadcast %squeeze3A_67 : i32 to vector<16xi32>
        %eq3A_140 = arith.cmpi eq, %get3A_135, %eq3A_139 : vector<16xi32>
        %sub3A_141 = vector.broadcast %scan3A_63 : i32 to vector<16xi32>
        %sub3A_142 = arith.subi %sub3A_141, %add3A_138 : vector<16xi32>
        %jit3A_143 = arith.constant 0 : i32
        %broadcast_in_dim3A_144 = vector.broadcast %jit3A_143 : i32 to vector<16xi32>
        %select_n3A_145 = arith.select %eq3A_140, %sub3A_142, %broadcast_in_dim3A_144 : vector<16xi1>, vector<16xi32>
        %or3A_146 = arith.ori %or3A_133, %select_n3A_145 : vector<16xi32>
        %get3A_147 = arith.constant 80 : index
        %get3A_148 = tpu.vector_load %arg4[%get3A_147] {strides = array<i32>} : memref<384xi32, #tpu.memory_space<vmem>>, vector<16xi32>,
        %add3A_149 = arith.constant 80 : i32
        %add3A_150 = vector.broadcast %add3A_149 : i32 to vector<16xi32>
        %add3A_151 = arith.addi %add3A_150, %iota3A : vector<16xi32>
        %eq3A_152 = vector.broadcast %squeeze3A_67 : i32 to vector<16xi32>
        %eq3A_153 = arith.cmpi eq, %get3A_148, %eq3A_152 : vector<16xi32>
        %sub3A_154 = vector.broadcast %scan3A_63 : i32 to vector<16xi32>
        %sub3A_155 = arith.subi %sub3A_154, %add3A_151 : vector<16xi32>
        %jit3A_156 = arith.constant 0 : i32
        %broadcast_in_dim3A_157 = vector.broadcast %jit3A_156 : i32 to vector<16xi32>
        %select_n3A_158 = arith.select %eq3A_153, %sub3A_155, %broadcast_in_dim3A_157 : vector<16xi1>, vector<16xi32>
        %or3A_159 = arith.ori %or3A_146, %select_n3A_158 : vector<16xi32>
        %get3A_160 = arith.constant 96 : index
        %get3A_161 = tpu.vector_load %arg4[%get3A_160] {strides = array<i32>} : memref<384xi32, #tpu.memory_space<vmem>>, vector<16xi32>,
        %add3A_162 = arith.constant 96 : i32
        %add3A_163 = vector.broadcast %add3A_162 : i32 to vector<16xi32>
        %add3A_164 = arith.addi %add3A_163, %iota3A : vector<16xi32>
        %eq3A_165 = vector.broadcast %squeeze3A_67 : i32 to vector<16xi32>
        %eq3A_166 = arith.cmpi eq, %get3A_161, %eq3A_165 : vector<16xi32>
        %sub3A_167 = vector.broadcast %scan3A_63 : i32 to vector<16xi32>
        %sub3A_168 = arith.subi %sub3A_167, %add3A_164 : vector<16xi32>
        %jit3A_169 = arith.constant 0 : i32
        %broadcast_in_dim3A_170 = vector.broadcast %jit3A_169 : i32 to vector<16xi32>
        %select_n3A_171 = arith.select %eq3A_166, %sub3A_168, %broadcast_in_dim3A_170 : vector<16xi1>, vector<16xi32>
        %or3A_172 = arith.ori %or3A_159, %select_n3A_171 : vector<16xi32>
        %get3A_173 = arith.constant 112 : index
        %get3A_174 = tpu.vector_load %arg4[%get3A_173] {strides = array<i32>} : memref<384xi32, #tpu.memory_space<vmem>>, vector<16xi32>,
        %add3A_175 = arith.constant 112 : i32
        %add3A_176 = vector.broadcast %add3A_175 : i32 to vector<16xi32>
        %add3A_177 = arith.addi %add3A_176, %iota3A : vector<16xi32>
        %eq3A_178 = vector.broadcast %squeeze3A_67 : i32 to vector<16xi32>
        %eq3A_179 = arith.cmpi eq, %get3A_174, %eq3A_178 : vector<16xi32>
        %sub3A_180 = vector.broadcast %scan3A_63 : i32 to vector<16xi32>
        %sub3A_181 = arith.subi %sub3A_180, %add3A_177 : vector<16xi32>
        %jit3A_182 = arith.constant 0 : i32
        %broadcast_in_dim3A_183 = vector.broadcast %jit3A_182 : i32 to vector<16xi32>
        %select_n3A_184 = arith.select %eq3A_179, %sub3A_181, %broadcast_in_dim3A_183 : vector<16xi1>, vector<16xi32>
        %or3A_185 = arith.ori %or3A_172, %select_n3A_184 : vector<16xi32>
        %reduce_min3A = arith.constant true
        %reduce_min3A_186 = vector.broadcast %reduce_min3A : i1 to vector<16xi1>
        %reduce_min3A_187 = arith.constant -2147483648 : i32
        %reduce_min3A_188 = vector.broadcast %reduce_min3A_187 : i32 to vector<16xi32>
        %reduce_min3A_189 = arith.xori %or3A_185, %reduce_min3A_188 : vector<16xi32>
        %reduce_min3A_190 = tpu.scan <min>, %reduce_min3A_189 masked %reduce_min3A_186 : vector<16xi32>, vector<16xi1> -> vector<16xi32>
        %reduce_min3A_191 = arith.xori %reduce_min3A_190, %reduce_min3A_188 : vector<16xi32>
        %reduce_min3A_192 = vector.extract %reduce_min3A_191[15] : i32 from vector<16xi32>
        %ge3A_193 = arith.constant 0 : i32
        %ge3A_194 = arith.cmpi sge, %reduce_min3A_192, %ge3A_193 : i32
        %convert_element_type3A_195 = arith.extui %ge3A_194 : i1 to i32
        %cond3A_196 = arith.constant 0 : i32
        %cond3A_197 = arith.cmpi ne, %convert_element_type3A_195, %cond3A_196 : i32
        scf.if %cond3A_197 {
          %iota3A_198 = tpu.iota {dimensions = array<i32: 0>} : vector<16xi32>
          %add3A_199 = arith.constant 128 : i32
          %add3A_200 = arith.addi %add3A_199, %scan3A_63 : i32
          %get3A_201 = arith.index_cast %add3A_200 : i32 to index
          %get3A_202 = tpu.vector_load %arg4[%get3A_201] {strides = array<i32>} : memref<384xi32, #tpu.memory_space<vmem>>, vector<16xi32>,
          %bitcast3A = vector.bitcast %get3A_202 : vector<16xi32> to vector<16xf32>
          %slice3A_203 = vector.extract_strided_slice %bitcast3A {offsets = [0], sizes = [1], strides = [1]} : vector<16xf32> to vector<1xf32>
          %squeeze3A_204 = vector.extract %slice3A_203[0] : f32 from vector<1xf32>
          %sub3A_205 = arith.constant 3 : i32
          %sub3A_206 = arith.subi %and3A_71, %sub3A_205 : i32
          %add3A_207 = vector.broadcast %sub3A_206 : i32 to vector<16xi32>
          %add3A_208 = arith.addi %add3A_207, %iota3A_198 : vector<16xi32>
          %sub3A_209 = arith.constant 511 : i32
          %sub3A_210 = vector.broadcast %sub3A_209 : i32 to vector<16xi32>
          %sub3A_211 = arith.subi %sub3A_210, %add3A_208 : vector<16xi32>
          %or3A_212 = arith.ori %add3A_208, %sub3A_211 : vector<16xi32>
          %sub3A_213 = arith.constant 6 : i32
          %sub3A_214 = vector.broadcast %sub3A_213 : i32 to vector<16xi32>
          %sub3A_215 = arith.subi %sub3A_214, %iota3A_198 : vector<16xi32>
          %or3A_216 = arith.ori %or3A_212, %sub3A_215 : vector<16xi32>
          %ge3A_217 = arith.constant 0 : i32
          %ge3A_218 = vector.broadcast %ge3A_217 : i32 to vector<16xi32>
          %ge3A_219 = arith.cmpi sge, %or3A_216, %ge3A_218 : vector<16xi32>
          %sub3A_220 = arith.constant 3 : i32
          %sub3A_221 = arith.subi %sub3A_72, %sub3A_220 : i32
          %add3A_222 = arith.constant 0 : i32
          %add3A_223 = arith.addi %sub3A_221, %add3A_222 : i32
          %ge3A_224 = arith.constant 0 : i32
          %ge3A_225 = arith.cmpi sge, %add3A_223, %ge3A_224 : i32
          %lt3A_226 = arith.constant 32 : i32
          %lt3A_227 = arith.cmpi slt, %add3A_223, %lt3A_226 : i32
          %and3A_228 = arith.andi %ge3A_225, %lt3A_227 : i1
          %convert_element_type3A_229 = arith.extui %and3A_228 : i1 to i32
          %cond3A_230 = arith.constant 0 : i32
          %cond3A_231 = arith.cmpi ne, %convert_element_type3A_229, %cond3A_230 : i32
          scf.if %cond3A_231 {
            %get3A_304 = arith.constant 256 : index
            %get3A_305 = tpu.vector_load %arg4[%get3A_304] {strides = array<i32>} : memref<384xi32, #tpu.memory_space<vmem>>, vector<16xi32>,
            %bitcast3A_306 = vector.bitcast %get3A_305 : vector<16xi32> to vector<16xf32>
            %mul3A_307 = vector.broadcast %squeeze3A_204 : f32 to vector<16xf32>
            %mul3A_308 = arith.mulf %mul3A_307, %bitcast3A_306 : vector<16xf32>
            %mul3A_309 = arith.constant 512 : i32
            %mul3A_310 = arith.muli %add3A_223, %mul3A_309 : i32
            %add3A_311 = vector.broadcast %mul3A_310 : i32 to vector<16xi32>
            %add3A_312 = arith.addi %add3A_311, %add3A_208 : vector<16xi32>
            tpu.vector_store_idx %arg6[%add3A_312], %mul3A_308 masked %ge3A_219 {add = true} : memref<16384xf32, #tpu.memory_space<vmem>>[vector<16xi32>], vector<16xf32>, vector<16xi1>
          } else {
          }
          %sub3A_232 = arith.constant 3 : i32
          %sub3A_233 = arith.subi %sub3A_72, %sub3A_232 : i32
          %add3A_234 = arith.constant 1 : i32
          %add3A_235 = arith.addi %sub3A_233, %add3A_234 : i32
          %ge3A_236 = arith.constant 0 : i32
          %ge3A_237 = arith.cmpi sge, %add3A_235, %ge3A_236 : i32
          %lt3A_238 = arith.constant 32 : i32
          %lt3A_239 = arith.cmpi slt, %add3A_235, %lt3A_238 : i32
          %and3A_240 = arith.andi %ge3A_237, %lt3A_239 : i1
          %convert_element_type3A_241 = arith.extui %and3A_240 : i1 to i32
          %cond3A_242 = arith.constant 0 : i32
          %cond3A_243 = arith.cmpi ne, %convert_element_type3A_241, %cond3A_242 : i32
          scf.if %cond3A_243 {
            %get3A_304 = arith.constant 272 : index
            %get3A_305 = tpu.vector_load %arg4[%get3A_304] {strides = array<i32>} : memref<384xi32, #tpu.memory_space<vmem>>, vector<16xi32>,
            %bitcast3A_306 = vector.bitcast %get3A_305 : vector<16xi32> to vector<16xf32>
            %mul3A_307 = vector.broadcast %squeeze3A_204 : f32 to vector<16xf32>
            %mul3A_308 = arith.mulf %mul3A_307, %bitcast3A_306 : vector<16xf32>
            %mul3A_309 = arith.constant 512 : i32
            %mul3A_310 = arith.muli %add3A_235, %mul3A_309 : i32
            %add3A_311 = vector.broadcast %mul3A_310 : i32 to vector<16xi32>
            %add3A_312 = arith.addi %add3A_311, %add3A_208 : vector<16xi32>
            tpu.vector_store_idx %arg6[%add3A_312], %mul3A_308 masked %ge3A_219 {add = true} : memref<16384xf32, #tpu.memory_space<vmem>>[vector<16xi32>], vector<16xf32>, vector<16xi1>
          } else {
          }
          %sub3A_244 = arith.constant 3 : i32
          %sub3A_245 = arith.subi %sub3A_72, %sub3A_244 : i32
          %add3A_246 = arith.constant 2 : i32
          %add3A_247 = arith.addi %sub3A_245, %add3A_246 : i32
          %ge3A_248 = arith.constant 0 : i32
          %ge3A_249 = arith.cmpi sge, %add3A_247, %ge3A_248 : i32
          %lt3A_250 = arith.constant 32 : i32
          %lt3A_251 = arith.cmpi slt, %add3A_247, %lt3A_250 : i32
          %and3A_252 = arith.andi %ge3A_249, %lt3A_251 : i1
          %convert_element_type3A_253 = arith.extui %and3A_252 : i1 to i32
          %cond3A_254 = arith.constant 0 : i32
          %cond3A_255 = arith.cmpi ne, %convert_element_type3A_253, %cond3A_254 : i32
          scf.if %cond3A_255 {
            %get3A_304 = arith.constant 288 : index
            %get3A_305 = tpu.vector_load %arg4[%get3A_304] {strides = array<i32>} : memref<384xi32, #tpu.memory_space<vmem>>, vector<16xi32>,
            %bitcast3A_306 = vector.bitcast %get3A_305 : vector<16xi32> to vector<16xf32>
            %mul3A_307 = vector.broadcast %squeeze3A_204 : f32 to vector<16xf32>
            %mul3A_308 = arith.mulf %mul3A_307, %bitcast3A_306 : vector<16xf32>
            %mul3A_309 = arith.constant 512 : i32
            %mul3A_310 = arith.muli %add3A_247, %mul3A_309 : i32
            %add3A_311 = vector.broadcast %mul3A_310 : i32 to vector<16xi32>
            %add3A_312 = arith.addi %add3A_311, %add3A_208 : vector<16xi32>
            tpu.vector_store_idx %arg6[%add3A_312], %mul3A_308 masked %ge3A_219 {add = true} : memref<16384xf32, #tpu.memory_space<vmem>>[vector<16xi32>], vector<16xf32>, vector<16xi1>
          } else {
          }
          %sub3A_256 = arith.constant 3 : i32
          %sub3A_257 = arith.subi %sub3A_72, %sub3A_256 : i32
          %add3A_258 = arith.constant 3 : i32
          %add3A_259 = arith.addi %sub3A_257, %add3A_258 : i32
          %ge3A_260 = arith.constant 0 : i32
          %ge3A_261 = arith.cmpi sge, %add3A_259, %ge3A_260 : i32
          %lt3A_262 = arith.constant 32 : i32
          %lt3A_263 = arith.cmpi slt, %add3A_259, %lt3A_262 : i32
          %and3A_264 = arith.andi %ge3A_261, %lt3A_263 : i1
          %convert_element_type3A_265 = arith.extui %and3A_264 : i1 to i32
          %cond3A_266 = arith.constant 0 : i32
          %cond3A_267 = arith.cmpi ne, %convert_element_type3A_265, %cond3A_266 : i32
          scf.if %cond3A_267 {
            %get3A_304 = arith.constant 304 : index
            %get3A_305 = tpu.vector_load %arg4[%get3A_304] {strides = array<i32>} : memref<384xi32, #tpu.memory_space<vmem>>, vector<16xi32>,
            %bitcast3A_306 = vector.bitcast %get3A_305 : vector<16xi32> to vector<16xf32>
            %mul3A_307 = vector.broadcast %squeeze3A_204 : f32 to vector<16xf32>
            %mul3A_308 = arith.mulf %mul3A_307, %bitcast3A_306 : vector<16xf32>
            %mul3A_309 = arith.constant 512 : i32
            %mul3A_310 = arith.muli %add3A_259, %mul3A_309 : i32
            %add3A_311 = vector.broadcast %mul3A_310 : i32 to vector<16xi32>
            %add3A_312 = arith.addi %add3A_311, %add3A_208 : vector<16xi32>
            tpu.vector_store_idx %arg6[%add3A_312], %mul3A_308 masked %ge3A_219 {add = true} : memref<16384xf32, #tpu.memory_space<vmem>>[vector<16xi32>], vector<16xf32>, vector<16xi1>
          } else {
          }
          %sub3A_268 = arith.constant 3 : i32
          %sub3A_269 = arith.subi %sub3A_72, %sub3A_268 : i32
          %add3A_270 = arith.constant 4 : i32
          %add3A_271 = arith.addi %sub3A_269, %add3A_270 : i32
          %ge3A_272 = arith.constant 0 : i32
          %ge3A_273 = arith.cmpi sge, %add3A_271, %ge3A_272 : i32
          %lt3A_274 = arith.constant 32 : i32
          %lt3A_275 = arith.cmpi slt, %add3A_271, %lt3A_274 : i32
          %and3A_276 = arith.andi %ge3A_273, %lt3A_275 : i1
          %convert_element_type3A_277 = arith.extui %and3A_276 : i1 to i32
          %cond3A_278 = arith.constant 0 : i32
          %cond3A_279 = arith.cmpi ne, %convert_element_type3A_277, %cond3A_278 : i32
          scf.if %cond3A_279 {
            %get3A_304 = arith.constant 320 : index
            %get3A_305 = tpu.vector_load %arg4[%get3A_304] {strides = array<i32>} : memref<384xi32, #tpu.memory_space<vmem>>, vector<16xi32>,
            %bitcast3A_306 = vector.bitcast %get3A_305 : vector<16xi32> to vector<16xf32>
            %mul3A_307 = vector.broadcast %squeeze3A_204 : f32 to vector<16xf32>
            %mul3A_308 = arith.mulf %mul3A_307, %bitcast3A_306 : vector<16xf32>
            %mul3A_309 = arith.constant 512 : i32
            %mul3A_310 = arith.muli %add3A_271, %mul3A_309 : i32
            %add3A_311 = vector.broadcast %mul3A_310 : i32 to vector<16xi32>
            %add3A_312 = arith.addi %add3A_311, %add3A_208 : vector<16xi32>
            tpu.vector_store_idx %arg6[%add3A_312], %mul3A_308 masked %ge3A_219 {add = true} : memref<16384xf32, #tpu.memory_space<vmem>>[vector<16xi32>], vector<16xf32>, vector<16xi1>
          } else {
          }
          %sub3A_280 = arith.constant 3 : i32
          %sub3A_281 = arith.subi %sub3A_72, %sub3A_280 : i32
          %add3A_282 = arith.constant 5 : i32
          %add3A_283 = arith.addi %sub3A_281, %add3A_282 : i32
          %ge3A_284 = arith.constant 0 : i32
          %ge3A_285 = arith.cmpi sge, %add3A_283, %ge3A_284 : i32
          %lt3A_286 = arith.constant 32 : i32
          %lt3A_287 = arith.cmpi slt, %add3A_283, %lt3A_286 : i32
          %and3A_288 = arith.andi %ge3A_285, %lt3A_287 : i1
          %convert_element_type3A_289 = arith.extui %and3A_288 : i1 to i32
          %cond3A_290 = arith.constant 0 : i32
          %cond3A_291 = arith.cmpi ne, %convert_element_type3A_289, %cond3A_290 : i32
          scf.if %cond3A_291 {
            %get3A_304 = arith.constant 336 : index
            %get3A_305 = tpu.vector_load %arg4[%get3A_304] {strides = array<i32>} : memref<384xi32, #tpu.memory_space<vmem>>, vector<16xi32>,
            %bitcast3A_306 = vector.bitcast %get3A_305 : vector<16xi32> to vector<16xf32>
            %mul3A_307 = vector.broadcast %squeeze3A_204 : f32 to vector<16xf32>
            %mul3A_308 = arith.mulf %mul3A_307, %bitcast3A_306 : vector<16xf32>
            %mul3A_309 = arith.constant 512 : i32
            %mul3A_310 = arith.muli %add3A_283, %mul3A_309 : i32
            %add3A_311 = vector.broadcast %mul3A_310 : i32 to vector<16xi32>
            %add3A_312 = arith.addi %add3A_311, %add3A_208 : vector<16xi32>
            tpu.vector_store_idx %arg6[%add3A_312], %mul3A_308 masked %ge3A_219 {add = true} : memref<16384xf32, #tpu.memory_space<vmem>>[vector<16xi32>], vector<16xf32>, vector<16xi1>
          } else {
          }
          %sub3A_292 = arith.constant 3 : i32
          %sub3A_293 = arith.subi %sub3A_72, %sub3A_292 : i32
          %add3A_294 = arith.constant 6 : i32
          %add3A_295 = arith.addi %sub3A_293, %add3A_294 : i32
          %ge3A_296 = arith.constant 0 : i32
          %ge3A_297 = arith.cmpi sge, %add3A_295, %ge3A_296 : i32
          %lt3A_298 = arith.constant 32 : i32
          %lt3A_299 = arith.cmpi slt, %add3A_295, %lt3A_298 : i32
          %and3A_300 = arith.andi %ge3A_297, %lt3A_299 : i1
          %convert_element_type3A_301 = arith.extui %and3A_300 : i1 to i32
          %cond3A_302 = arith.constant 0 : i32
          %cond3A_303 = arith.cmpi ne, %convert_element_type3A_301, %cond3A_302 : i32
          scf.if %cond3A_303 {
            %get3A_304 = arith.constant 352 : index
            %get3A_305 = tpu.vector_load %arg4[%get3A_304] {strides = array<i32>} : memref<384xi32, #tpu.memory_space<vmem>>, vector<16xi32>,
            %bitcast3A_306 = vector.bitcast %get3A_305 : vector<16xi32> to vector<16xf32>
            %mul3A_307 = vector.broadcast %squeeze3A_204 : f32 to vector<16xf32>
            %mul3A_308 = arith.mulf %mul3A_307, %bitcast3A_306 : vector<16xf32>
            %mul3A_309 = arith.constant 512 : i32
            %mul3A_310 = arith.muli %add3A_295, %mul3A_309 : i32
            %add3A_311 = vector.broadcast %mul3A_310 : i32 to vector<16xi32>
            %add3A_312 = arith.addi %add3A_311, %add3A_208 : vector<16xi32>
            tpu.vector_store_idx %arg6[%add3A_312], %mul3A_308 masked %ge3A_219 {add = true} : memref<16384xf32, #tpu.memory_space<vmem>>[vector<16xi32>], vector<16xf32>, vector<16xi1>
          } else {
          }
        } else {
        }
      } else {
      }
    }
    %scan3A_32 = arith.constant 64 : i32
    %mul3A_33 = arith.constant 512 : i32
    %mul3A_34 = arith.muli %mul3A_2, %mul3A_33 : i32
    %dma_start3A_35 = arith.constant 1 : i32
    %dma_start3A_36 = tpu.memref_slice %arg3[%dma_start3A_35, %mul3A_34] : memref<2x262144xf32, #tpu.memory_space<hbm>> -> memref<1x16384xf32, #tpu.memory_space<hbm>>
    %dma_start3A_37 = tpu.memref_squeeze %dma_start3A_36 : memref<1x16384xf32, #tpu.memory_space<hbm>> -> memref<16384xf32, #tpu.memory_space<hbm>>
    %dma_start3A_38 = tpu.memref_slice %arg3[%dma_start3A_35, %mul3A_34] : memref<2x262144xf32, #tpu.memory_space<hbm>> -> memref<1x16384xf32, #tpu.memory_space<hbm>>
    %dma_start3A_39 = tpu.memref_squeeze %dma_start3A_38 : memref<1x16384xf32, #tpu.memory_space<hbm>> -> memref<16384xf32, #tpu.memory_space<hbm>>
    tpu.enqueue_dma source(%arg6 : memref<16384xf32, #tpu.memory_space<vmem>>) target(%dma_start3A_39 : memref<16384xf32, #tpu.memory_space<hbm>>) target_semaphore(%arg7 : memref<!tpu.dma_semaphore, #tpu.memory_space<semaphore_mem>>)
    %dma_wait3A_40 = arith.constant 0 : i32
    %dma_wait3A_41 = tpu.memref_slice %arg3[%dma_wait3A_40, %mul3A_21] : memref<2x262144xf32, #tpu.memory_space<hbm>> -> memref<1x16384xf32, #tpu.memory_space<hbm>>
    %dma_wait3A_42 = tpu.memref_squeeze %dma_wait3A_41 : memref<1x16384xf32, #tpu.memory_space<hbm>> -> memref<16384xf32, #tpu.memory_space<hbm>>
    %dma_wait3A_43 = tpu.memref_slice %arg3[%dma_wait3A_40, %mul3A_21] : memref<2x262144xf32, #tpu.memory_space<hbm>> -> memref<1x16384xf32, #tpu.memory_space<hbm>>
    %dma_wait3A_44 = tpu.memref_squeeze %dma_wait3A_43 : memref<1x16384xf32, #tpu.memory_space<hbm>> -> memref<16384xf32, #tpu.memory_space<hbm>>
    tpu.wait_dma2 semaphore(%arg7 : memref<!tpu.dma_semaphore, #tpu.memory_space<semaphore_mem>>) src(%arg5 : memref<16384xf32, #tpu.memory_space<vmem>>) dst(%dma_wait3A_44 : memref<16384xf32, #tpu.memory_space<hbm>>)
    %dma_wait3A_45 = arith.constant 1 : i32
    %dma_wait3A_46 = tpu.memref_slice %arg3[%dma_wait3A_45, %mul3A_34] : memref<2x262144xf32, #tpu.memory_space<hbm>> -> memref<1x16384xf32, #tpu.memory_space<hbm>>
    %dma_wait3A_47 = tpu.memref_squeeze %dma_wait3A_46 : memref<1x16384xf32, #tpu.memory_space<hbm>> -> memref<16384xf32, #tpu.memory_space<hbm>>
    %dma_wait3A_48 = tpu.memref_slice %arg3[%dma_wait3A_45, %mul3A_34] : memref<2x262144xf32, #tpu.memory_space<hbm>> -> memref<1x16384xf32, #tpu.memory_space<hbm>>
    %dma_wait3A_49 = tpu.memref_squeeze %dma_wait3A_48 : memref<1x16384xf32, #tpu.memory_space<hbm>> -> memref<16384xf32, #tpu.memory_space<hbm>>
    tpu.wait_dma2 semaphore(%arg7 : memref<!tpu.dma_semaphore, #tpu.memory_space<semaphore_mem>>) src(%arg6 : memref<16384xf32, #tpu.memory_space<vmem>>) dst(%dma_wait3A_49 : memref<16384xf32, #tpu.memory_space<hbm>>)
    return
  }
}

</mosaic_0001>

<sc_bundles>
// kernel: kernel.3.cloned.1.call-start
scs
__scs_entry_jumppad:
0x0: {  	(pc) =	sbr.rel $0x88, $3  }
0x1: {  	(tag) =	ssettag $0x0;
	lr =	simm.s32 $0x1  }
0x2: {  	[smem:$0x3F9D] =	sst lr;
	_ =	strace $0xD0000000  }
0x3: {  	_ = 	snop  }
0x4: {  	_ = 	snop  }
0x5: {  	_ = 	snop  }
0x6: {  	_ = 	snop  }
0x7: {  	_ = 	snop  }
__scs_overlays_trampoline_lowered:
0x8: {  	[smem:$0x3FAC] =	sst s0  }
0x9: {  	[smem:$0x3FAD] =	sst s1  }
0xa: {  	[smem:$0x3FAE] =	sst s2  }
0xb: {  	[smem:$0x3FAF] =	sst s3  }
0xc: {  	[smem:$0x3FB0] =	sst s4  }
0xd: {  	[smem:$0x3FB1] =	sst s5  }
0xe: {  	[smem:$0x3FB2] =	sst s6  }
0xf: {  	[smem:$0x3FB3] =	sst s7  }
0x10: {  	[smem:$0x3FB4] =	sst s8  }
0x11: {  	[smem:$0x3FB5] =	sst s9;
	s0 =	simm.s32 @!p0 $0x0  }
0x12: {  	s1 =	sld [smem:$0x3F9B];
	s0 =	simm.s32 @p0 $0x1  }
0x13: {  	[smem:$0x3FB6] =	sst s0;
	s0 =	simm.s32 @!p1 $0x0  }
0x14: {  	s2 =	sld [smem:$0x3F9A];
	s0 =	simm.s32 @p1 $0x1  }
0x15: {  	[smem:$0x3FB7] =	sst s0;
	s0 =	simm.s32 @!p2 $0x0  }
0x16: {  	s3 =	sld [smem:$0x3FDB];
	s0 =	simm.s32 @p2 $0x1  }
0x17: {  	s4 =	simm.s32 $0x1BF5;
	[smem:$0x3FB9] =	sst s0  }
0x18: {  	s0 =	sld [smem:$0x3F9C];
	_ =	swait.ge [sflag:s4], $0x0  }
0x19: {  	s7 =	sld [smem:$0x3F9D]  }
0x1a: {  	s8 =	sadd.s32 $0xFFFFE003, lr  }
0x1b: {  	s9 =	sadd.s32 $0xFFFFFEF7, lr;
	s5 =	simm.s32 $0xFFFFFFFF;
	p2 =	slt.u32 s8, $0xFFFFF086  }
0x1c: {  	p1 =	slt.u32 s9, $0xF7A;
	s5 =	simm.s32 @!p2 $0x0  }
0x1d: {  	s5 =	simm.s32 @p1 $0x1;
	p0 =	seq.s32 s7, s2  }
0x1e: {  	s7 =	smul.u32 @!p0 $0xF7A, s2;
	p2 =	seq.s32 @!p0 s5, $0x0  }
0x1f: {  	s9 =	smul.u32 $0xF7A, s1;
	s8 =	simm.s32 @!p0 $0x1BF5;
	p2 =	por !p2, p0  }
0x20: {  	[sflag:s8] =	ssyncset.s32 @!p0 $0xFFFFF086;
	s6 =	sadd.s32 @!p0 s3, s7;
	s7 =	simm.s32 @!p0 $0x108  }
0x21: {  	s3 =	sadd.s32 s3, s9;
	s6 =	sadd.s32 @!p0 $0x88, s6;
	s7 =	simm.s32 @p2 $0x1082  }
0x22: {  	[simem:s7], [sflag:s8] =	dma.local @!p0 [hbm:s6], $0xF7A  }
0x23: {  	s9 =	sor.u32 $0xD0000000, s2;
	s6 =	simm.s32 $0x108;
	_ =	swait.ge @!p0 [sflag:s8], $0x0  }
0x24: {  	s3 =	sadd.s32 $0x88, s3;
	s6 =	simm.s32 @!p1 $0x1082;
	[sflag:s4] =	ssyncset.s32 $0xFFFFF086  }
0x25: {  	[simem:s6], [sflag:s4] =	dma.local [hbm:s3], $0xF7A  }
0x26: {  	[smem:$0x3F9D] =	sst s1;
	(tag) =	ssettag s2;
	_ =	strace s9  }
0x27: {  	s1 =	sld [smem:$0x3FAD]  }
0x28: {  	s2 =	sld [smem:$0x3FAE]  }
0x29: {  	s4 =	sld [smem:$0x3FB0]  }
0x2a: {  	p0 =	seq.s32 s5, $0x0;
	s5 =	sld [smem:$0x3FB1]  }
0x2b: {  	s6 =	sld [smem:$0x3FB2]  }
0x2c: {  	s7 =	sld [smem:$0x3FB3]  }
0x2d: {  	s3 =	simm.s32 $0x108;
	s8 =	sld [smem:$0x3FB4]  }
0x2e: {  	s3 =	simm.s32 @!p0 $0x1082;
	s9 =	sld [smem:$0x3FB5]  }
0x2f: {  	lr =	sadd.s32 s0, s3;
	s0 =	sld [smem:$0x3FAC]  }
0x30: {  	s3 =	sld [smem:$0x3FAF]  }
0x31: {  	[smem:$0x3FB8] =	sst s10  }
0x32: {  	s10 =	sld [smem:$0x3FB6];
	_ =	sdelay $0x3  }
0x33: {  	p0 =	seq.s32 s10, $0x1;
	s10 =	sld [smem:$0x3FB8];
	_ =	sdelay $0x3  }
0x34: {  	[smem:$0x3FB8] =	sst s10  }
0x35: {  	s10 =	sld [smem:$0x3FB7];
	_ =	sdelay $0x3  }
0x36: {  	p1 =	seq.s32 s10, $0x1;
	s10 =	sld [smem:$0x3FB8];
	_ =	sdelay $0x3  }
0x37: {  	[smem:$0x3FB8] =	sst s10  }
0x38: {  	s10 =	sld [smem:$0x3FB9]  }
0x39: {  	_ = 	snop;
	(pc) =	sbr.ind lr, $3  }
0x3a: {  	_ = 	snop  }
0x3b: {  	_ = 	snop  }
0x3c: {  	p2 =	seq.s32 s10, $0x1;
	s10 =	sld [smem:$0x3FB8]  }
0x3d: {  	_ =	shalt  }
0x3e: {  	_ =	shalt  }
0x3f: {  	_ =	shalt  }
0x40: {  	_ =	shalt  }
0x41: {  	_ =	shalt  }
0x42: {  	_ =	shalt  }
0x43: {  	_ =	shalt  }
0x44: {  	_ =	shalt  }
0x45: {  	_ =	shalt  }
0x46: {  	_ =	shalt  }
0x47: {  	_ =	shalt  }
0x48: {  	_ =	shalt  }
0x49: {  	_ =	shalt  }
0x4a: {  	_ =	shalt  }
0x4b: {  	_ =	shalt  }
0x4c: {  	_ =	shalt  }
0x4d: {  	_ =	shalt  }
0x4e: {  	_ =	shalt  }
0x4f: {  	_ =	shalt  }
0x50: {  	_ =	shalt  }
0x51: {  	_ =	shalt  }
0x52: {  	_ =	shalt  }
0x53: {  	_ =	shalt  }
0x54: {  	_ =	shalt  }
0x55: {  	_ =	shalt  }
0x56: {  	_ =	shalt  }
0x57: {  	_ =	shalt  }
0x58: {  	_ =	shalt  }
0x59: {  	_ =	shalt  }
0x5a: {  	_ =	shalt  }
0x5b: {  	_ =	shalt  }
0x5c: {  	_ =	shalt  }
0x5d: {  	_ =	shalt  }
0x5e: {  	_ =	shalt  }
0x5f: {  	_ =	shalt  }
0x60: {  	_ =	shalt  }
0x61: {  	_ =	shalt  }
0x62: {  	_ =	shalt  }
0x63: {  	_ =	shalt  }
0x64: {  	_ =	shalt  }
0x65: {  	_ =	shalt  }
0x66: {  	_ =	shalt  }
0x67: {  	_ =	shalt  }
0x68: {  	_ =	shalt  }
0x69: {  	_ =	shalt  }
0x6a: {  	_ =	shalt  }
0x6b: {  	_ =	shalt  }
0x6c: {  	_ =	shalt  }
0x6d: {  	_ =	shalt  }
0x6e: {  	_ =	shalt  }
0x6f: {  	_ =	shalt  }
0x70: {  	_ =	shalt  }
0x71: {  	_ =	shalt  }
0x72: {  	_ =	shalt  }
0x73: {  	_ =	shalt  }
0x74: {  	_ =	shalt  }
0x75: {  	_ =	shalt  }
0x76: {  	_ =	shalt  }
0x77: {  	_ =	shalt  }
0x78: {  	_ =	shalt  }
0x79: {  	_ =	shalt  }
0x7a: {  	_ =	shalt  }
0x7b: {  	_ =	shalt  }
0x7c: {  	_ =	shalt  }
0x7d: {  	_ =	shalt  }
0x7e: {  	_ =	shalt  }
0x7f: {  	_ =	shalt  }
0x80: {  	_ =	shalt  }
0x81: {  	_ =	shalt  }
0x82: {  	_ =	shalt  }
0x83: {  	_ =	shalt  }
0x84: {  	_ =	shalt  }
0x85: {  	_ =	shalt  }
0x86: {  	_ =	shalt  }
0x87: {  	_ =	shalt  }
.Lfunc_end0:
.L_simem_size_0:
called_computation_lowered:
.L_overlay_start_0:
0x88: {  	s0 =	sld [smem:$0x3FD9]  }
0x89: {  	s1 =	sld [smem:$0x3FFE];
	_ =	sdelay $0x3  }
0x8a: {  	s0 =	sadd.s32 s1, s0  }
0x8b: {  	[smem:$0x3FC4] =	sst s0  }
0x8c: {  	_ = 	snop  }
0x8d: {  	s0 =	sld [smem:$0x3FD0];
	(tm) =	ssettm $0x1  }
0x8e: {  	s16 =	sld [smem:$0x3FFB];
	_ =	sdelay $0x3  }
0x8f: {  	_ =	strace s16  }
0x90: {  	s1 =	sld [smem:$0x3FFC];
	_ =	sdelay $0x3  }
0x91: {  	_ =	strace s1  }
0x92: {  	s1 =	sld [smem:$0x3FFD];
	_ =	sdelay $0x3  }
0x93: {  	_ =	strace s1  }
0x94: {  	_ =	strace $0x8FFFFFFF  }
0x95: {  	s17 =	sld [smem:$0x3FDB];
	_ =	sdelay $0x1  }
0x96: {  	s2 =	simm.s32 $_scs_section_size  }
0x97: {  	s3 =	simm.s32 $_size__tile_overlayer_lowered;
	s4 =	simm.s32 $_tile_overlayer_lowered  }
0x98: {  	s20 =	simm.s32 $0x1BFF;
	s19 =	sshll.u32 s4, $0x1;
	s1 =	sadd.s32 s2, s17  }
0x99: {  	s5 =	simm.s32 $0x0;
	s18 =	sshll.u32 s3, $0x1;
	s3 =	sadd.s32 s19, s1  }
0x9a: {  	[timem:s5], [sflag:s20] =	dma.local [hbm:s3], s18  }
0x9b: {  	_ =	swait.ge [sflag:s20], s18  }
0x9c: {  	s2 =	ssub.s32 $0x0, s18;
	[sflag:s20] =	ssyncset.done $0x0  }
0x9d: {  	[sflag:s20] =	ssyncadd.s32 s2;
	_ =	sdelay $0x1  }
0x9e: {  	s21 =	simm.s32 $0x1B8B  }
0x9f: {  	_ =	swait.ge [sflag:s21], $0x1  }
0xa0: {  	[sflag:s21] =	ssyncset.done $0x0  }
0xa1: {  	s23 =	simm.s32 $0x1B8E;
	s22 =	sld [smem:$0x3FFE];
	[sflag:s21] =	ssyncadd.s32 $0xFFFFFFFF  }
0xa2: {  	s24 =	simm.s32 $execute0_lowered;
	[smem:$0x3FD2] =	sst s23  }
0xa3: {  	s3 =	sshll.u32 s24, $0x1;
	_ =	strace $0x80000046;
	[dreg:$0x1] =	wrdreg $0xFFFFFFFF  }
0xa4: {  	s25 =	simm.s32 $_size_execute0_lowered;
	s1 =	sadd.s32 s1, s3;
	[dreg:$0x0] =	wrdreg $0x0  }
0xa5: {  	s3 =	sshll.u32 s25, $0x1;
	[dreg:$0x2] =	wrdreg s1  }
0xa6: {  	[dreg:$0x3] =	wrdreg s3  }
0xa7: {  	[dreg:$0x4] =	wrdreg $0xC0  }
0xa8: {  	_ =	task [dreg:s5], $0x5FFFF  }
0xa9: {  	[dreg:$0x1] =	wrdreg $0xFFFFFFFF  }
0xaa: {  	[dreg:$0x0] =	wrdreg $0x60  }
0xab: {  	[dreg:$0x2] =	wrdreg s0  }
0xac: {  	[dreg:$0x3] =	wrdreg s22  }
0xad: {  	[dreg:$0x4] =	wrdreg $0x9  }
0xae: {  	_ =	task.clear_ibuf [dreg:s5], $0x5FFFF;
	_ =	strace $0x90000046  }
0xaf: {  	s26 =	simm.s32 $0x9;
	_ =	strace $0x80000048  }
0xb0: {  	_ =	swait.ge [sflag:s26], $0x1  }
0xb1: {  	[sflag:s26] =	ssyncadd.s32 $0xFFFFFFFF  }
0xb2: {  	_ =	strace $0x90000048  }
0xb3: {  	_ =	sfence  }
0xb4: {  	s28 =	sld [smem:$0x0];
	_ =	sdelay $0x1  }
0xb5: {  	s29 =	srdreg.scid  }
0xb6: {  	s30 =	sshll.u32 s29, $0xD;
	s31 =	sshrl.u32 s29, $0x2  }
0xb7: {  	s2 =	sand.u32 $0x4000, s30;
	s1 =	sand.u32 $0x1, s29;
	s0 =	sadd.s32 s31, s28  }
0xb8: {  	s1 =	sor.u32 s2, s1;
	s0 =	sshll.u32 s0, $0x11  }
0xb9: {  	s0 =	sor.u32 s0, s1  }
0xba: {  	s0 =	sadd.s32 $0x8F2B, s0  }
0xbb: {  	[sflag:s0] =	ssyncadd.remote.s32 $0x1  }
0xbc: {  	_ =	sfence.sel $0xFFFF  }
0xbd: {  	[dreg:$0x0] =	wrdreg $0xFFFFFFFF;
	(pc) =	sbr.abs _section_cstart, $3  }
0xbe: {  	[dreg:$0x1] =	wrdreg $0xFFFFFFFF  }
0xbf: {  	_ =	task.clear_ibuf [dreg:s5], $0x2FFFF;
	_ =	strace $0x9FFFFFFF  }
0xc0: {  	(tm) =	ssettm $0x7FFFFFFF  }
0xc1: {  	_ =	shalt  }
tec
execute0_lowered:
.L_overlay_start_1:
0x0: {  	(tag) =	ssettag $0x1  }
0x1: {  	s1 =	rddreg [dreg:$0x0]  }
0x2: {  	s2 =	rddreg [dreg:$0x1];
	s3 =	simm.s32 $0x0  }
0x3: {  	[smem:$0x7FF] =	sst s3  }
0x4: {  	s0 =	rddreg [dreg:$0x2];
	s4 =	simm.s32 $0x200;
	_ =	strace $0x80000047  }
0x5: {  	[tilespmem:s3], [sflag:$0x1] =	stream.linear.gather [hbm4b:s1+s3], $0x170, $0x38;
	[tilespmem:$0x8180] =	vst v63  }
0x6: {  	v0 =	vimm.f32 $0.0e+00;
	s2 =	sadd.s32 $0xC00, s2;
	s1 =	stileid.u32;
	s3 =	simm.s32 $0x0  }
.LBB2_1:
0x7: {  	p0 =	sne.s32 s4, $0xFE00;
	[tilespmem:s3+$0x41F0] =	vst v0  }
0x8: {  	[tilespmem:s3+$0x180] =	vst v0  }
0x9: {  	[tilespmem:s3+$0x4180] =	vst v0  }
0xa: {  	[tilespmem:s3+$0x190] =	vst v0  }
0xb: {  	[tilespmem:s3+$0x4190] =	vst v0  }
0xc: {  	[tilespmem:s3+$0x1A0] =	vst v0  }
0xd: {  	[tilespmem:s3+$0x41A0] =	vst v0  }
0xe: {  	[tilespmem:s3+$0x1B0] =	vst v0  }
0xf: {  	[tilespmem:s3+$0x41B0] =	vst v0  }
0x10: {  	[tilespmem:s3+$0x1C0] =	vst v0  }
0x11: {  	[tilespmem:s3+$0x41C0] =	vst v0  }
.Ltmp0:
0x12: {  	[tilespmem:s3+$0x1D0] =	vst v0;
	(pc) =	sbr.rel @p0 .LBB2_1-.Ltmp0, $4  }
0x13: {  	[tilespmem:s3+$0x41D0] =	vst v0  }
0x14: {  	[tilespmem:s3+$0x1E0] =	vst v0  }
0x15: {  	[tilespmem:s3+$0x41E0] =	vst v0  }
0x16: {  	[tilespmem:s3+$0x1F0] =	vst v0;
	s3 =	sshra.s32 s4, $0x2;
	s4 =	sadd.s32 $0x200, s4  }
0x17: {  	[tilespmem:s3+$0x41F0] =	vst v0  }
0x18: {  	[tilespmem:s3+$0x180] =	vst v0  }
0x19: {  	[tilespmem:s3+$0x4180] =	vst v0  }
0x1a: {  	[tilespmem:s3+$0x190] =	vst v0  }
0x1b: {  	[tilespmem:s3+$0x4190] =	vst v0  }
0x1c: {  	[tilespmem:s3+$0x1A0] =	vst v0  }
0x1d: {  	[tilespmem:s3+$0x41A0] =	vst v0  }
0x1e: {  	[tilespmem:s3+$0x1B0] =	vst v0  }
0x1f: {  	[tilespmem:s3+$0x41B0] =	vst v0  }
0x20: {  	[tilespmem:s3+$0x1C0] =	vst v0  }
0x21: {  	[tilespmem:s3+$0x41C0] =	vst v0  }
0x22: {  	[tilespmem:s3+$0x1D0] =	vst v0  }
0x23: {  	[tilespmem:s3+$0x41D0] =	vst v0  }
0x24: {  	[tilespmem:s3+$0x1E0] =	vst v0  }
.Ltmp1:
0x25: {  	[tilespmem:s3+$0x41E0] =	vst v0;
	(pc) =	sbr.rel .LBB2_3-.Ltmp1, $4  }
0x26: {  	[tilespmem:s3+$0x1F0] =	vst v0;
	s6 =	simm.s32 $0x1;
	v0 =	vlaneseq.u32  }
0x27: {  	s3 =	sshll.u32 s1, $0x5;
	_ =	swait.ge [sflag:s6], $0x170;
	v2 =	vmul.u32 $0xFFFFFFFF, v0  }
0x28: {  	s8 =	simm.s32 $0xFFFFFFFE;
	s4 =	sadd.s32 $0xFFFFFFFD, s3;
	[sflag:s6] =	ssyncset.done $0x0  }
0x29: {  	s5 =	sadd.s32 $0x23, s3;
	[sflag:s6] =	ssyncadd.s32 $0xFFFFFE90;
	s6 =	simm.s32 $0x81;
	v1 =	vadd.s32 $0x1FF, v2;
	v2 =	vadd.s32 $0x6, v2  }
.LBB2_7:
0x2a: {  	p0 =	slt.u32 s7, $0x3E  }
.Ltmp2:
0x2b: {  	_ = 	snop;
	(pc) =	sbr.rel @!p0 .LBB2_8-.Ltmp2, $2  }
0x2c: {  	_ =	sdelay $0x2  }
0x2d: {  	s6 =	sadd.s32 $0x2, s6;
	s8 =	smov.u32 s7  }
.LBB2_3:
0x2e: {  	v3 =	vld [tilespmem:s6+$0xFFFFFF7F];
	_ =	sdelay $0x4  }
0x2f: {  	(v2sf) =	vpush v3, $0x0;
	_ =	sdelay $0xe  }
0x30: {  	s10 =	spop (v2sf)  }
0x31: {  	s9 =	sshra.s32 s10, $0x9  }
0x32: {  	p0 =	slt.s32 s9, s4  }
0x33: {  	p1 =	sge.s32 @!p0 s9, s5  }
0x34: {  	p0 =	por p0, p1  }
0x35: {  	v4 =	vld @!p0 [tilespmem:$0x0];
	_ =	sdelay $0x1  }
0x36: {  	v5 =	vlaneseq.u32 @!p0;
	v6 =	vld @!p0 [tilespmem:$0x10]  }
0x37: {  	v3 =	vbroadcast @!p0 v3, $0x0;
	v7 =	vld @!p0 [tilespmem:$0x20];
	v5 =	vmul.u32 @!p0 $0xFFFFFFFF, v5  }
0x38: {  	s7 =	sadd.s32 $0x2, s8  }
0x39: {  	vm0 =	veq.s32 @!p0 v4, v3;
	v4 =	vadd.s32 @!p0 s7, v5  }
0x3a: {  	v9 =	vld @!p0 [tilespmem:$0x30];
	v8 =	vadd.s32 @!p0 $0xFFFFFFF0, v5;
	v4 =	vnsel @!p0 vm0, $0x0, v4  }
0x3b: {  	v10 =	vld @!p0 [tilespmem:$0x40];
	vm0 =	veq.s32 @!p0 v6, v3;
	v6 =	vadd.s32 @!p0 s7, v8;
	v8 =	vadd.s32 @!p0 $0xFFFFFFE0, v5  }
0x3c: {  	v6 =	vnsel @!p0 vm0, $0x0, v6;
	vm0 =	veq.s32 @!p0 v7, v3;
	v7 =	vadd.s32 @!p0 s7, v8  }
0x3d: {  	v4 =	vor.u32 @!p0 v4, v6;
	v6 =	vnsel @!p0 vm0, $0x0, v7;
	v7 =	vld @!p0 [tilespmem:$0x50]  }
0x3e: {  	v8 =	vld @!p0 [tilespmem:$0x60];
	v4 =	vor.u32 @!p0 v6, v4;
	v6 =	vadd.s32 @!p0 $0xFFFFFFD0, v5  }
0x3f: {  	vm0 =	veq.s32 @!p0 v9, v3;
	v9 =	vadd.s32 @!p0 $0xFFFFFFC0, v5;
	v6 =	vadd.s32 @!p0 s7, v6  }
0x40: {  	v9 =	vadd.s32 @!p0 s7, v9;
	v6 =	vnsel @!p0 vm0, $0x0, v6;
	vm0 =	veq.s32 @!p0 v10, v3;
	v10 =	vld @!p0 [tilespmem:$0x70]  }
0x41: {  	v4 =	vor.u32 @!p0 v6, v4;
	v6 =	vnsel @!p0 vm0, $0x0, v9;
	v9 =	vadd.s32 @!p0 $0xFFFFFFB0, v5  }
0x42: {  	vm0 =	veq.s32 @!p0 v7, v3;
	v7 =	vadd.s32 @!p0 s7, v9;
	v9 =	vadd.s32 @!p0 $0xFFFFFFA0, v5  }
0x43: {  	v7 =	vnsel @!p0 vm0, $0x0, v7;
	vm0 =	veq.s32 @!p0 v8, v3;
	v8 =	vadd.s32 @!p0 s7, v9  }
0x44: {  	v4 =	vor.u32 @!p0 v6, v4;
	v5 =	vadd.s32 @!p0 $0xFFFFFF90, v5;
	v6 =	vnsel @!p0 vm0, $0x0, v8  }
0x45: {  	vm0 =	veq.s32 @!p0 v10, v3;
	v3 =	vor.u32 @!p0 v7, v4;
	v4 =	vadd.s32 @!p0 s7, v5  }
0x46: {  	v3 =	vor.u32 @!p0 v6, v3;
	v4 =	vnsel @!p0 vm0, $0x0, v4  }
0x47: {  	v3 =	vor.u32 @!p0 v4, v3  }
0x48: {  	v3 =	vxor.u32 @!p0 $0x80000000, v3  }
0x49: {  	(xrf0) =	vmin.scan.msk.u32 @!p0 $0xffff, v3;
	_ =	sdelay $0x5  }
0x4a: {  	v3, _, _ =	vpop @!p0 (xrf0)  }
0x4b: {  	(v2sf) =	vpush @!p0 v3, $0xF;
	_ =	sdelay $0xe  }
0x4c: {  	s11 =	spop @!p0 (v2sf)  }
0x4d: {  	p1 =	sgt.s32 @!p0 s11, $0xFFFFFFFF  }
0x4e: {  	p0 =	por p0, p1  }
.Ltmp3:
0x4f: {  	_ = 	snop;
	(pc) =	sbr.rel @p0 .LBB2_5-.Ltmp3, $1  }
0x50: {  	_ =	sdelay $0x3  }
0x51: {  	s10 =	sand.u32 $0x1FF, s10  }
0x52: {  	s10 =	sadd.s32 $0xFFFFFFFD, s10  }
0x53: {  	s9 =	ssub.s32 s9, s3;
	v3 =	vmov s10  }
0x54: {  	v4 =	vld [tilespmem:s6+$0xFFFFFFFF];
	v5 =	vadd.s32 s10, v0;
	s10 =	sadd.s32 $0xFFFFFFFD, s9;
	v3 =	vsub.s32 v1, v3  }
0x55: {  	p0 =	sgt.u32 s10, $0x1F;
	v3 =	vor.u32 v5, v3  }
0x56: {  	v6 =	vld @!p0 [tilespmem:$0x100];
	v3 =	vor.u32 v2, v3  }
0x57: {  	s10 =	sshll.u32 @!p0 s10, $0x9;
	vm0 =	vgt.s32 @!p0 v3, $0xFFFFFFFF  }
0x58: {  	v7 =	vadd.s32 @!p0 s10, v5  }
0x59: {  	v8 =	vbroadcast @!p0 v4, $0x0;
	_ =	sdelay $0x1  }
0x5a: {  	v6 =	vmul.f32 @!p0 v6, v8  }
0x5b: {  	s11 =	sadd.s32 $0xFFFFFFFE, s9;
	s10 =	simm.s32 @!p0 $0x180  }
0x5c: {  	[tilespmem:v7+s10+$0x0] =	vst.idx.add.f32.msk @!p0 vm0, v6;
	p0 =	sgt.u32 s11, $0x1F  }
0x5d: {  	v6 =	vld @!p0 [tilespmem:$0x110]  }
0x5e: {  	vm0 =	vgt.s32 @!p0 v3, $0xFFFFFFFF;
	s10 =	sshll.u32 @!p0 s11, $0x9  }
0x5f: {  	v7 =	vadd.s32 @!p0 s10, v5  }
0x60: {  	v8 =	vbroadcast @!p0 v4, $0x0;
	_ =	sdelay $0x1  }
0x61: {  	v6 =	vmul.f32 @!p0 v6, v8  }
0x62: {  	s11 =	sadd.s32 $0xFFFFFFFF, s9;
	s10 =	simm.s32 @!p0 $0x180  }
0x63: {  	[tilespmem:v7+s10+$0x0] =	vst.idx.add.f32.msk @!p0 vm0, v6;
	p0 =	sgt.u32 s11, $0x1F  }
0x64: {  	v6 =	vld @!p0 [tilespmem:$0x120]  }
0x65: {  	vm0 =	vgt.s32 @!p0 v3, $0xFFFFFFFF;
	s10 =	sshll.u32 @!p0 s11, $0x9  }
0x66: {  	v7 =	vadd.s32 @!p0 s10, v5  }
0x67: {  	v8 =	vbroadcast @!p0 v4, $0x0;
	_ =	sdelay $0x1  }
0x68: {  	v6 =	vmul.f32 @!p0 v6, v8  }
0x69: {  	s10 =	simm.s32 @!p0 $0x180  }
0x6a: {  	[tilespmem:v7+s10+$0x0] =	vst.idx.add.f32.msk @!p0 vm0, v6;
	p0 =	sgt.u32 s9, $0x1F  }
0x6b: {  	v6 =	vld @!p0 [tilespmem:$0x130]  }
0x6c: {  	vm0 =	vgt.s32 @!p0 v3, $0xFFFFFFFF;
	s10 =	sshll.u32 @!p0 s9, $0x9  }
0x6d: {  	v7 =	vadd.s32 @!p0 s10, v5  }
0x6e: {  	v8 =	vbroadcast @!p0 v4, $0x0;
	_ =	sdelay $0x1  }
0x6f: {  	v6 =	vmul.f32 @!p0 v6, v8  }
0x70: {  	s11 =	sadd.s32 $0x1, s9;
	s10 =	simm.s32 @!p0 $0x180  }
0x71: {  	[tilespmem:v7+s10+$0x0] =	vst.idx.add.f32.msk @!p0 vm0, v6;
	p0 =	sgt.u32 s11, $0x1F  }
0x72: {  	v6 =	vld @!p0 [tilespmem:$0x140]  }
0x73: {  	vm0 =	vgt.s32 @!p0 v3, $0xFFFFFFFF;
	s10 =	sshll.u32 @!p0 s11, $0x9  }
0x74: {  	v7 =	vadd.s32 @!p0 s10, v5  }
0x75: {  	v8 =	vbroadcast @!p0 v4, $0x0;
	_ =	sdelay $0x1  }
0x76: {  	v6 =	vmul.f32 @!p0 v6, v8  }
0x77: {  	s11 =	sadd.s32 $0x2, s9;
	s10 =	simm.s32 @!p0 $0x180  }
0x78: {  	[tilespmem:v7+s10+$0x0] =	vst.idx.add.f32.msk @!p0 vm0, v6;
	p0 =	sgt.u32 s11, $0x1F  }
0x79: {  	v6 =	vld @!p0 [tilespmem:$0x150]  }
0x7a: {  	vm0 =	vgt.s32 @!p0 v3, $0xFFFFFFFF;
	s10 =	sshll.u32 @!p0 s11, $0x9  }
0x7b: {  	v7 =	vadd.s32 @!p0 s10, v5  }
0x7c: {  	v8 =	vbroadcast @!p0 v4, $0x0;
	_ =	sdelay $0x1  }
0x7d: {  	v6 =	vmul.f32 @!p0 v6, v8  }
0x7e: {  	s9 =	sadd.s32 $0x3, s9;
	s10 =	simm.s32 @!p0 $0x180  }
0x7f: {  	[tilespmem:v7+s10+$0x0] =	vst.idx.add.f32.msk @!p0 vm0, v6;
	p0 =	sgt.u32 s9, $0x1F  }
0x80: {  	v6 =	vld @!p0 [tilespmem:$0x160]  }
0x81: {  	vm0 =	vgt.s32 @!p0 v3, $0xFFFFFFFF;
	s9 =	sshll.u32 @!p0 s9, $0x9  }
0x82: {  	v3 =	vadd.s32 @!p0 s9, v5  }
0x83: {  	v4 =	vbroadcast @!p0 v4, $0x0;
	_ =	sdelay $0x1  }
0x84: {  	v4 =	vmul.f32 @!p0 v6, v4  }
0x85: {  	s9 =	simm.s32 @!p0 $0x180  }
0x86: {  	[tilespmem:v3+s9+$0x0] =	vst.idx.add.f32.msk @!p0 vm0, v4  }
.LBB2_5:
0x87: {  	v3 =	vld [tilespmem:s6+$0xFFFFFF80];
	_ =	sdelay $0x4  }
0x88: {  	(v2sf) =	vpush v3, $0x0;
	_ =	sdelay $0xe  }
0x89: {  	s10 =	spop (v2sf)  }
0x8a: {  	s9 =	sshra.s32 s10, $0x9  }
0x8b: {  	p0 =	slt.s32 s9, s4  }
0x8c: {  	p1 =	sge.s32 @!p0 s9, s5  }
0x8d: {  	p0 =	por p0, p1  }
0x8e: {  	v4 =	vld @!p0 [tilespmem:$0x0];
	_ =	sdelay $0x1  }
0x8f: {  	v5 =	vlaneseq.u32 @!p0;
	v6 =	vld @!p0 [tilespmem:$0x10]  }
0x90: {  	v3 =	vbroadcast @!p0 v3, $0x0;
	v7 =	vld @!p0 [tilespmem:$0x20];
	v5 =	vmul.u32 @!p0 $0xFFFFFFFF, v5  }
0x91: {  	s8 =	sadd.s32 @!p0 $0x3, s8  }
0x92: {  	vm0 =	veq.s32 @!p0 v4, v3;
	v4 =	vadd.s32 @!p0 s8, v5  }
0x93: {  	v9 =	vld @!p0 [tilespmem:$0x30];
	v8 =	vadd.s32 @!p0 $0xFFFFFFF0, v5;
	v4 =	vnsel @!p0 vm0, $0x0, v4  }
0x94: {  	v10 =	vld @!p0 [tilespmem:$0x40];
	vm0 =	veq.s32 @!p0 v6, v3;
	v6 =	vadd.s32 @!p0 s8, v8;
	v8 =	vadd.s32 @!p0 $0xFFFFFFE0, v5  }
0x95: {  	v6 =	vnsel @!p0 vm0, $0x0, v6;
	vm0 =	veq.s32 @!p0 v7, v3;
	v7 =	vadd.s32 @!p0 s8, v8  }
0x96: {  	v4 =	vor.u32 @!p0 v4, v6;
	v6 =	vnsel @!p0 vm0, $0x0, v7;
	v7 =	vld @!p0 [tilespmem:$0x50]  }
0x97: {  	v8 =	vld @!p0 [tilespmem:$0x60];
	v4 =	vor.u32 @!p0 v6, v4;
	v6 =	vadd.s32 @!p0 $0xFFFFFFD0, v5  }
0x98: {  	vm0 =	veq.s32 @!p0 v9, v3;
	v9 =	vadd.s32 @!p0 $0xFFFFFFC0, v5;
	v6 =	vadd.s32 @!p0 s8, v6  }
0x99: {  	v9 =	vadd.s32 @!p0 s8, v9;
	v6 =	vnsel @!p0 vm0, $0x0, v6;
	vm0 =	veq.s32 @!p0 v10, v3;
	v10 =	vld @!p0 [tilespmem:$0x70]  }
0x9a: {  	v4 =	vor.u32 @!p0 v6, v4;
	v6 =	vnsel @!p0 vm0, $0x0, v9;
	v9 =	vadd.s32 @!p0 $0xFFFFFFB0, v5  }
0x9b: {  	vm0 =	veq.s32 @!p0 v7, v3;
	v7 =	vadd.s32 @!p0 s8, v9;
	v9 =	vadd.s32 @!p0 $0xFFFFFFA0, v5  }
0x9c: {  	v7 =	vnsel @!p0 vm0, $0x0, v7;
	vm0 =	veq.s32 @!p0 v8, v3;
	v8 =	vadd.s32 @!p0 s8, v9  }
0x9d: {  	v4 =	vor.u32 @!p0 v6, v4;
	v5 =	vadd.s32 @!p0 $0xFFFFFF90, v5;
	v6 =	vnsel @!p0 vm0, $0x0, v8  }
0x9e: {  	vm0 =	veq.s32 @!p0 v10, v3;
	v3 =	vor.u32 @!p0 v7, v4;
	v4 =	vadd.s32 @!p0 s8, v5  }
0x9f: {  	v3 =	vor.u32 @!p0 v6, v3;
	v4 =	vnsel @!p0 vm0, $0x0, v4  }
0xa0: {  	v3 =	vor.u32 @!p0 v4, v3  }
0xa1: {  	v3 =	vxor.u32 @!p0 $0x80000000, v3  }
0xa2: {  	(xrf0) =	vmin.scan.msk.u32 @!p0 $0xffff, v3;
	_ =	sdelay $0x5  }
0xa3: {  	v3, _, _ =	vpop @!p0 (xrf0)  }
0xa4: {  	(v2sf) =	vpush @!p0 v3, $0xF;
	_ =	sdelay $0xe  }
0xa5: {  	s8 =	spop @!p0 (v2sf)  }
0xa6: {  	p1 =	sgt.s32 @!p0 s8, $0xFFFFFFFF  }
0xa7: {  	p0 =	por p0, p1  }
.Ltmp4:
0xa8: {  	_ = 	snop;
	(pc) =	sbr.rel @p0 .LBB2_7-.Ltmp4, $1  }
0xa9: {  	_ =	sdelay $0x3  }
0xaa: {  	s8 =	sand.u32 $0x1FF, s10  }
0xab: {  	s10 =	sadd.s32 $0xFFFFFFFD, s8  }
0xac: {  	s8 =	ssub.s32 s9, s3;
	v3 =	vmov s10  }
0xad: {  	v4 =	vld [tilespmem:s6+$0x0];
	v5 =	vadd.s32 s10, v0;
	s9 =	sadd.s32 $0xFFFFFFFD, s8;
	v3 =	vsub.s32 v1, v3  }
0xae: {  	p0 =	sgt.u32 s9, $0x1F;
	v3 =	vor.u32 v5, v3  }
0xaf: {  	v6 =	vld @!p0 [tilespmem:$0x100];
	v3 =	vor.u32 v2, v3  }
0xb0: {  	s9 =	sshll.u32 @!p0 s9, $0x9;
	vm0 =	vgt.s32 @!p0 v3, $0xFFFFFFFF  }
0xb1: {  	v7 =	vadd.s32 @!p0 s9, v5  }
0xb2: {  	v8 =	vbroadcast @!p0 v4, $0x0;
	_ =	sdelay $0x1  }
0xb3: {  	v6 =	vmul.f32 @!p0 v6, v8  }
0xb4: {  	s10 =	sadd.s32 $0xFFFFFFFE, s8;
	s9 =	simm.s32 @!p0 $0x180  }
0xb5: {  	[tilespmem:v7+s9+$0x0] =	vst.idx.add.f32.msk @!p0 vm0, v6;
	p0 =	sgt.u32 s10, $0x1F  }
0xb6: {  	v6 =	vld @!p0 [tilespmem:$0x110]  }
0xb7: {  	vm0 =	vgt.s32 @!p0 v3, $0xFFFFFFFF;
	s9 =	sshll.u32 @!p0 s10, $0x9  }
0xb8: {  	v7 =	vadd.s32 @!p0 s9, v5  }
0xb9: {  	v8 =	vbroadcast @!p0 v4, $0x0;
	_ =	sdelay $0x1  }
0xba: {  	v6 =	vmul.f32 @!p0 v6, v8  }
0xbb: {  	s10 =	sadd.s32 $0xFFFFFFFF, s8;
	s9 =	simm.s32 @!p0 $0x180  }
0xbc: {  	[tilespmem:v7+s9+$0x0] =	vst.idx.add.f32.msk @!p0 vm0, v6;
	p0 =	sgt.u32 s10, $0x1F  }
0xbd: {  	v6 =	vld @!p0 [tilespmem:$0x120]  }
0xbe: {  	vm0 =	vgt.s32 @!p0 v3, $0xFFFFFFFF;
	s9 =	sshll.u32 @!p0 s10, $0x9  }
0xbf: {  	v7 =	vadd.s32 @!p0 s9, v5  }
0xc0: {  	v8 =	vbroadcast @!p0 v4, $0x0;
	_ =	sdelay $0x1  }
0xc1: {  	v6 =	vmul.f32 @!p0 v6, v8  }
0xc2: {  	s9 =	simm.s32 @!p0 $0x180  }
0xc3: {  	[tilespmem:v7+s9+$0x0] =	vst.idx.add.f32.msk @!p0 vm0, v6;
	p0 =	sgt.u32 s8, $0x1F  }
0xc4: {  	v6 =	vld @!p0 [tilespmem:$0x130]  }
0xc5: {  	vm0 =	vgt.s32 @!p0 v3, $0xFFFFFFFF;
	s9 =	sshll.u32 @!p0 s8, $0x9  }
0xc6: {  	v7 =	vadd.s32 @!p0 s9, v5  }
0xc7: {  	v8 =	vbroadcast @!p0 v4, $0x0;
	_ =	sdelay $0x1  }
0xc8: {  	v6 =	vmul.f32 @!p0 v6, v8  }
0xc9: {  	s10 =	sadd.s32 $0x1, s8;
	s9 =	simm.s32 @!p0 $0x180  }
0xca: {  	[tilespmem:v7+s9+$0x0] =	vst.idx.add.f32.msk @!p0 vm0, v6;
	p0 =	sgt.u32 s10, $0x1F  }
0xcb: {  	v6 =	vld @!p0 [tilespmem:$0x140]  }
0xcc: {  	vm0 =	vgt.s32 @!p0 v3, $0xFFFFFFFF;
	s9 =	sshll.u32 @!p0 s10, $0x9  }
0xcd: {  	v7 =	vadd.s32 @!p0 s9, v5  }
0xce: {  	v8 =	vbroadcast @!p0 v4, $0x0;
	_ =	sdelay $0x1  }
0xcf: {  	v6 =	vmul.f32 @!p0 v6, v8  }
0xd0: {  	s10 =	sadd.s32 $0x2, s8;
	s9 =	simm.s32 @!p0 $0x180  }
0xd1: {  	[tilespmem:v7+s9+$0x0] =	vst.idx.add.f32.msk @!p0 vm0, v6;
	p0 =	sgt.u32 s10, $0x1F  }
0xd2: {  	v6 =	vld @!p0 [tilespmem:$0x150]  }
0xd3: {  	vm0 =	vgt.s32 @!p0 v3, $0xFFFFFFFF;
	s9 =	sshll.u32 @!p0 s10, $0x9  }
0xd4: {  	v7 =	vadd.s32 @!p0 s9, v5  }
0xd5: {  	v8 =	vbroadcast @!p0 v4, $0x0;
	_ =	sdelay $0x1  }
0xd6: {  	v6 =	vmul.f32 @!p0 v6, v8  }
0xd7: {  	s8 =	sadd.s32 $0x3, s8;
	s9 =	simm.s32 @!p0 $0x180  }
0xd8: {  	[tilespmem:v7+s9+$0x0] =	vst.idx.add.f32.msk @!p0 vm0, v6;
	p0 =	sgt.u32 s8, $0x1F  }
0xd9: {  	v6 =	vld @!p0 [tilespmem:$0x160]  }
0xda: {  	vm0 =	vgt.s32 @!p0 v3, $0xFFFFFFFF;
	s8 =	sshll.u32 @!p0 s8, $0x9  }
0xdb: {  	v3 =	vadd.s32 @!p0 s8, v5  }
.Ltmp5:
0xdc: {  	v4 =	vbroadcast @!p0 v4, $0x0;
	(pc) =	sbr.rel .LBB2_7-.Ltmp5, $4  }
0xdd: {  	_ = 	snop  }
0xde: {  	v4 =	vmul.f32 @!p0 v6, v4  }
0xdf: {  	s8 =	simm.s32 @!p0 $0x180  }
0xe0: {  	[tilespmem:v3+s8+$0x0] =	vst.idx.add.f32.msk @!p0 vm0, v4  }
.LBB2_8:
.Ltmp6:
0xe1: {  	(pc) =	sbr.rel .LBB2_9-.Ltmp6, $4  }
0xe2: {  	s6 =	sshll.u32 s1, $0xC;
	s8 =	simm.s32 $0x80;
	v0 =	vlaneseq.u32  }
0xe3: {  	s9 =	simm.s32 $0x100;
	s10 =	simm.s32 $0x180;
	s7 =	sadd.s32 s2, s6;
	v2 =	vmul.u32 $0xFFFFFFFF, v0  }
0xe4: {  	[hbm4b:s7+s8] =	stream.strided.scatter [tilespmem:s10], [sflag:$0x1], $0x4000, s9, s8, $0x38;
	[tilespmem:$0x8180] =	vst v63  }
0xe5: {  	s9 =	simm.s32 $0x3E;
	s7 =	simm.s32 $0xC1;
	v1 =	vadd.s32 $0x1FF, v2;
	v2 =	vadd.s32 $0x6, v2  }
.LBB2_13:
0xe6: {  	p0 =	slt.u32 s8, $0x7E  }
.Ltmp7:
0xe7: {  	_ = 	snop;
	(pc) =	sbr.rel @!p0 .LBB2_14-.Ltmp7, $2  }
0xe8: {  	_ =	sdelay $0x2  }
0xe9: {  	s7 =	sadd.s32 $0x2, s7;
	s9 =	smov.u32 s8  }
.LBB2_9:
0xea: {  	v3 =	vld [tilespmem:s7+$0xFFFFFF7F];
	_ =	sdelay $0x4  }
0xeb: {  	(v2sf) =	vpush v3, $0x0;
	_ =	sdelay $0xe  }
0xec: {  	s11 =	spop (v2sf)  }
0xed: {  	s10 =	sshra.s32 s11, $0x9  }
0xee: {  	p0 =	slt.s32 s10, s4  }
0xef: {  	p1 =	sge.s32 @!p0 s10, s5  }
0xf0: {  	p0 =	por p0, p1  }
0xf1: {  	v4 =	vld @!p0 [tilespmem:$0x0];
	_ =	sdelay $0x1  }
0xf2: {  	v5 =	vlaneseq.u32 @!p0;
	v6 =	vld @!p0 [tilespmem:$0x10]  }
0xf3: {  	v3 =	vbroadcast @!p0 v3, $0x0;
	v7 =	vld @!p0 [tilespmem:$0x20];
	v5 =	vmul.u32 @!p0 $0xFFFFFFFF, v5  }
0xf4: {  	s8 =	sadd.s32 $0x2, s9  }
0xf5: {  	vm0 =	veq.s32 @!p0 v4, v3;
	v4 =	vadd.s32 @!p0 s8, v5  }
0xf6: {  	v9 =	vld @!p0 [tilespmem:$0x30];
	v8 =	vadd.s32 @!p0 $0xFFFFFFF0, v5;
	v4 =	vnsel @!p0 vm0, $0x0, v4  }
0xf7: {  	v10 =	vld @!p0 [tilespmem:$0x40];
	vm0 =	veq.s32 @!p0 v6, v3;
	v6 =	vadd.s32 @!p0 s8, v8;
	v8 =	vadd.s32 @!p0 $0xFFFFFFE0, v5  }
0xf8: {  	v6 =	vnsel @!p0 vm0, $0x0, v6;
	vm0 =	veq.s32 @!p0 v7, v3;
	v7 =	vadd.s32 @!p0 s8, v8  }
0xf9: {  	v4 =	vor.u32 @!p0 v4, v6;
	v6 =	vnsel @!p0 vm0, $0x0, v7;
	v7 =	vld @!p0 [tilespmem:$0x50]  }
0xfa: {  	v8 =	vld @!p0 [tilespmem:$0x60];
	v4 =	vor.u32 @!p0 v6, v4;
	v6 =	vadd.s32 @!p0 $0xFFFFFFD0, v5  }
0xfb: {  	vm0 =	veq.s32 @!p0 v9, v3;
	v9 =	vadd.s32 @!p0 $0xFFFFFFC0, v5;
	v6 =	vadd.s32 @!p0 s8, v6  }
0xfc: {  	v9 =	vadd.s32 @!p0 s8, v9;
	v6 =	vnsel @!p0 vm0, $0x0, v6;
	vm0 =	veq.s32 @!p0 v10, v3;
	v10 =	vld @!p0 [tilespmem:$0x70]  }
0xfd: {  	v4 =	vor.u32 @!p0 v6, v4;
	v6 =	vnsel @!p0 vm0, $0x0, v9;
	v9 =	vadd.s32 @!p0 $0xFFFFFFB0, v5  }
0xfe: {  	vm0 =	veq.s32 @!p0 v7, v3;
	v7 =	vadd.s32 @!p0 s8, v9;
	v9 =	vadd.s32 @!p0 $0xFFFFFFA0, v5  }
0xff: {  	v7 =	vnsel @!p0 vm0, $0x0, v7;
	vm0 =	veq.s32 @!p0 v8, v3;
	v8 =	vadd.s32 @!p0 s8, v9  }
0x100: {  	v4 =	vor.u32 @!p0 v6, v4;
	v5 =	vadd.s32 @!p0 $0xFFFFFF90, v5;
	v6 =	vnsel @!p0 vm0, $0x0, v8  }
0x101: {  	vm0 =	veq.s32 @!p0 v10, v3;
	v3 =	vor.u32 @!p0 v7, v4;
	v4 =	vadd.s32 @!p0 s8, v5  }
0x102: {  	v3 =	vor.u32 @!p0 v6, v3;
	v4 =	vnsel @!p0 vm0, $0x0, v4  }
0x103: {  	v3 =	vor.u32 @!p0 v4, v3  }
0x104: {  	v3 =	vxor.u32 @!p0 $0x80000000, v3  }
0x105: {  	(xrf0) =	vmin.scan.msk.u32 @!p0 $0xffff, v3;
	_ =	sdelay $0x5  }
0x106: {  	v3, _, _ =	vpop @!p0 (xrf0)  }
0x107: {  	(v2sf) =	vpush @!p0 v3, $0xF;
	_ =	sdelay $0xe  }
0x108: {  	s12 =	spop @!p0 (v2sf)  }
0x109: {  	p1 =	sgt.s32 @!p0 s12, $0xFFFFFFFF  }
0x10a: {  	p0 =	por p0, p1  }
.Ltmp8:
0x10b: {  	_ = 	snop;
	(pc) =	sbr.rel @p0 .LBB2_11-.Ltmp8, $1  }
0x10c: {  	_ =	sdelay $0x3  }
0x10d: {  	s11 =	sand.u32 $0x1FF, s11  }
0x10e: {  	s11 =	sadd.s32 $0xFFFFFFFD, s11  }
0x10f: {  	s10 =	ssub.s32 s10, s3;
	v3 =	vmov s11  }
0x110: {  	v4 =	vld [tilespmem:s7+$0xFFFFFFFF];
	v5 =	vadd.s32 s11, v0;
	s11 =	sadd.s32 $0xFFFFFFFD, s10;
	v3 =	vsub.s32 v1, v3  }
0x111: {  	p0 =	sgt.u32 s11, $0x1F;
	v3 =	vor.u32 v5, v3  }
0x112: {  	v6 =	vld @!p0 [tilespmem:$0x100];
	v3 =	vor.u32 v2, v3  }
0x113: {  	s11 =	sshll.u32 @!p0 s11, $0x9;
	vm0 =	vgt.s32 @!p0 v3, $0xFFFFFFFF  }
0x114: {  	v7 =	vadd.s32 @!p0 s11, v5  }
0x115: {  	v8 =	vbroadcast @!p0 v4, $0x0;
	_ =	sdelay $0x1  }
0x116: {  	v6 =	vmul.f32 @!p0 v6, v8  }
0x117: {  	s12 =	sadd.s32 $0xFFFFFFFE, s10;
	s11 =	simm.s32 @!p0 $0x4180  }
0x118: {  	[tilespmem:v7+s11+$0x0] =	vst.idx.add.f32.msk @!p0 vm0, v6;
	p0 =	sgt.u32 s12, $0x1F  }
0x119: {  	v6 =	vld @!p0 [tilespmem:$0x110]  }
0x11a: {  	vm0 =	vgt.s32 @!p0 v3, $0xFFFFFFFF;
	s11 =	sshll.u32 @!p0 s12, $0x9  }
0x11b: {  	v7 =	vadd.s32 @!p0 s11, v5  }
0x11c: {  	v8 =	vbroadcast @!p0 v4, $0x0;
	_ =	sdelay $0x1  }
0x11d: {  	v6 =	vmul.f32 @!p0 v6, v8  }
0x11e: {  	s12 =	sadd.s32 $0xFFFFFFFF, s10;
	s11 =	simm.s32 @!p0 $0x4180  }
0x11f: {  	[tilespmem:v7+s11+$0x0] =	vst.idx.add.f32.msk @!p0 vm0, v6;
	p0 =	sgt.u32 s12, $0x1F  }
0x120: {  	v6 =	vld @!p0 [tilespmem:$0x120]  }
0x121: {  	vm0 =	vgt.s32 @!p0 v3, $0xFFFFFFFF;
	s11 =	sshll.u32 @!p0 s12, $0x9  }
0x122: {  	v7 =	vadd.s32 @!p0 s11, v5  }
0x123: {  	v8 =	vbroadcast @!p0 v4, $0x0;
	_ =	sdelay $0x1  }
0x124: {  	v6 =	vmul.f32 @!p0 v6, v8  }
0x125: {  	s11 =	simm.s32 @!p0 $0x4180  }
0x126: {  	[tilespmem:v7+s11+$0x0] =	vst.idx.add.f32.msk @!p0 vm0, v6;
	p0 =	sgt.u32 s10, $0x1F  }
0x127: {  	v6 =	vld @!p0 [tilespmem:$0x130]  }
0x128: {  	vm0 =	vgt.s32 @!p0 v3, $0xFFFFFFFF;
	s11 =	sshll.u32 @!p0 s10, $0x9  }
0x129: {  	v7 =	vadd.s32 @!p0 s11, v5  }
0x12a: {  	v8 =	vbroadcast @!p0 v4, $0x0;
	_ =	sdelay $0x1  }
0x12b: {  	v6 =	vmul.f32 @!p0 v6, v8  }
0x12c: {  	s12 =	sadd.s32 $0x1, s10;
	s11 =	simm.s32 @!p0 $0x4180  }
0x12d: {  	[tilespmem:v7+s11+$0x0] =	vst.idx.add.f32.msk @!p0 vm0, v6;
	p0 =	sgt.u32 s12, $0x1F  }
0x12e: {  	v6 =	vld @!p0 [tilespmem:$0x140]  }
0x12f: {  	vm0 =	vgt.s32 @!p0 v3, $0xFFFFFFFF;
	s11 =	sshll.u32 @!p0 s12, $0x9  }
0x130: {  	v7 =	vadd.s32 @!p0 s11, v5  }
0x131: {  	v8 =	vbroadcast @!p0 v4, $0x0;
	_ =	sdelay $0x1  }
0x132: {  	v6 =	vmul.f32 @!p0 v6, v8  }
0x133: {  	s12 =	sadd.s32 $0x2, s10;
	s11 =	simm.s32 @!p0 $0x4180  }
0x134: {  	[tilespmem:v7+s11+$0x0] =	vst.idx.add.f32.msk @!p0 vm0, v6;
	p0 =	sgt.u32 s12, $0x1F  }
0x135: {  	v6 =	vld @!p0 [tilespmem:$0x150]  }
0x136: {  	vm0 =	vgt.s32 @!p0 v3, $0xFFFFFFFF;
	s11 =	sshll.u32 @!p0 s12, $0x9  }
0x137: {  	v7 =	vadd.s32 @!p0 s11, v5  }
0x138: {  	v8 =	vbroadcast @!p0 v4, $0x0;
	_ =	sdelay $0x1  }
0x139: {  	v6 =	vmul.f32 @!p0 v6, v8  }
0x13a: {  	s10 =	sadd.s32 $0x3, s10;
	s11 =	simm.s32 @!p0 $0x4180  }
0x13b: {  	[tilespmem:v7+s11+$0x0] =	vst.idx.add.f32.msk @!p0 vm0, v6;
	p0 =	sgt.u32 s10, $0x1F  }
0x13c: {  	v6 =	vld @!p0 [tilespmem:$0x160]  }
0x13d: {  	vm0 =	vgt.s32 @!p0 v3, $0xFFFFFFFF;
	s10 =	sshll.u32 @!p0 s10, $0x9  }
0x13e: {  	v3 =	vadd.s32 @!p0 s10, v5  }
0x13f: {  	v4 =	vbroadcast @!p0 v4, $0x0;
	_ =	sdelay $0x1  }
0x140: {  	v4 =	vmul.f32 @!p0 v6, v4  }
0x141: {  	s10 =	simm.s32 @!p0 $0x4180  }
0x142: {  	[tilespmem:v3+s10+$0x0] =	vst.idx.add.f32.msk @!p0 vm0, v4  }
.LBB2_11:
0x143: {  	v3 =	vld [tilespmem:s7+$0xFFFFFF80];
	_ =	sdelay $0x4  }
0x144: {  	(v2sf) =	vpush v3, $0x0;
	_ =	sdelay $0xe  }
0x145: {  	s11 =	spop (v2sf)  }
0x146: {  	s10 =	sshra.s32 s11, $0x9  }
0x147: {  	p0 =	slt.s32 s10, s4  }
0x148: {  	p1 =	sge.s32 @!p0 s10, s5  }
0x149: {  	p0 =	por p0, p1  }
0x14a: {  	v4 =	vld @!p0 [tilespmem:$0x0];
	_ =	sdelay $0x1  }
0x14b: {  	v5 =	vlaneseq.u32 @!p0;
	v6 =	vld @!p0 [tilespmem:$0x10]  }
0x14c: {  	v3 =	vbroadcast @!p0 v3, $0x0;
	v7 =	vld @!p0 [tilespmem:$0x20];
	v5 =	vmul.u32 @!p0 $0xFFFFFFFF, v5  }
0x14d: {  	s9 =	sadd.s32 @!p0 $0x3, s9  }
0x14e: {  	vm0 =	veq.s32 @!p0 v4, v3;
	v4 =	vadd.s32 @!p0 s9, v5  }
0x14f: {  	v9 =	vld @!p0 [tilespmem:$0x30];
	v8 =	vadd.s32 @!p0 $0xFFFFFFF0, v5;
	v4 =	vnsel @!p0 vm0, $0x0, v4  }
0x150: {  	v10 =	vld @!p0 [tilespmem:$0x40];
	vm0 =	veq.s32 @!p0 v6, v3;
	v6 =	vadd.s32 @!p0 s9, v8;
	v8 =	vadd.s32 @!p0 $0xFFFFFFE0, v5  }
0x151: {  	v6 =	vnsel @!p0 vm0, $0x0, v6;
	vm0 =	veq.s32 @!p0 v7, v3;
	v7 =	vadd.s32 @!p0 s9, v8  }
0x152: {  	v4 =	vor.u32 @!p0 v4, v6;
	v6 =	vnsel @!p0 vm0, $0x0, v7;
	v7 =	vld @!p0 [tilespmem:$0x50]  }
0x153: {  	v8 =	vld @!p0 [tilespmem:$0x60];
	v4 =	vor.u32 @!p0 v6, v4;
	v6 =	vadd.s32 @!p0 $0xFFFFFFD0, v5  }
0x154: {  	vm0 =	veq.s32 @!p0 v9, v3;
	v9 =	vadd.s32 @!p0 $0xFFFFFFC0, v5;
	v6 =	vadd.s32 @!p0 s9, v6  }
0x155: {  	v9 =	vadd.s32 @!p0 s9, v9;
	v6 =	vnsel @!p0 vm0, $0x0, v6;
	vm0 =	veq.s32 @!p0 v10, v3;
	v10 =	vld @!p0 [tilespmem:$0x70]  }
0x156: {  	v4 =	vor.u32 @!p0 v6, v4;
	v6 =	vnsel @!p0 vm0, $0x0, v9;
	v9 =	vadd.s32 @!p0 $0xFFFFFFB0, v5  }
0x157: {  	vm0 =	veq.s32 @!p0 v7, v3;
	v7 =	vadd.s32 @!p0 s9, v9;
	v9 =	vadd.s32 @!p0 $0xFFFFFFA0, v5  }
0x158: {  	v7 =	vnsel @!p0 vm0, $0x0, v7;
	vm0 =	veq.s32 @!p0 v8, v3;
	v8 =	vadd.s32 @!p0 s9, v9  }
0x159: {  	v4 =	vor.u32 @!p0 v6, v4;
	v5 =	vadd.s32 @!p0 $0xFFFFFF90, v5;
	v6 =	vnsel @!p0 vm0, $0x0, v8  }
0x15a: {  	vm0 =	veq.s32 @!p0 v10, v3;
	v3 =	vor.u32 @!p0 v7, v4;
	v4 =	vadd.s32 @!p0 s9, v5  }
0x15b: {  	v3 =	vor.u32 @!p0 v6, v3;
	v4 =	vnsel @!p0 vm0, $0x0, v4  }
0x15c: {  	v3 =	vor.u32 @!p0 v4, v3  }
0x15d: {  	v3 =	vxor.u32 @!p0 $0x80000000, v3  }
0x15e: {  	(xrf0) =	vmin.scan.msk.u32 @!p0 $0xffff, v3;
	_ =	sdelay $0x5  }
0x15f: {  	v3, _, _ =	vpop @!p0 (xrf0)  }
0x160: {  	(v2sf) =	vpush @!p0 v3, $0xF;
	_ =	sdelay $0xe  }
0x161: {  	s9 =	spop @!p0 (v2sf)  }
0x162: {  	p1 =	sgt.s32 @!p0 s9, $0xFFFFFFFF  }
0x163: {  	p0 =	por p0, p1  }
.Ltmp9:
0x164: {  	_ = 	snop;
	(pc) =	sbr.rel @p0 .LBB2_13-.Ltmp9, $1  }
0x165: {  	_ =	sdelay $0x3  }
0x166: {  	s9 =	sand.u32 $0x1FF, s11  }
0x167: {  	s11 =	sadd.s32 $0xFFFFFFFD, s9  }
0x168: {  	s9 =	ssub.s32 s10, s3;
	v3 =	vmov s11  }
0x169: {  	v4 =	vld [tilespmem:s7+$0x0];
	v5 =	vadd.s32 s11, v0;
	s10 =	sadd.s32 $0xFFFFFFFD, s9;
	v3 =	vsub.s32 v1, v3  }
0x16a: {  	p0 =	sgt.u32 s10, $0x1F;
	v3 =	vor.u32 v5, v3  }
0x16b: {  	v6 =	vld @!p0 [tilespmem:$0x100];
	v3 =	vor.u32 v2, v3  }
0x16c: {  	s10 =	sshll.u32 @!p0 s10, $0x9;
	vm0 =	vgt.s32 @!p0 v3, $0xFFFFFFFF  }
0x16d: {  	v7 =	vadd.s32 @!p0 s10, v5  }
0x16e: {  	v8 =	vbroadcast @!p0 v4, $0x0;
	_ =	sdelay $0x1  }
0x16f: {  	v6 =	vmul.f32 @!p0 v6, v8  }
0x170: {  	s11 =	sadd.s32 $0xFFFFFFFE, s9;
	s10 =	simm.s32 @!p0 $0x4180  }
0x171: {  	[tilespmem:v7+s10+$0x0] =	vst.idx.add.f32.msk @!p0 vm0, v6;
	p0 =	sgt.u32 s11, $0x1F  }
0x172: {  	v6 =	vld @!p0 [tilespmem:$0x110]  }
0x173: {  	vm0 =	vgt.s32 @!p0 v3, $0xFFFFFFFF;
	s10 =	sshll.u32 @!p0 s11, $0x9  }
0x174: {  	v7 =	vadd.s32 @!p0 s10, v5  }
0x175: {  	v8 =	vbroadcast @!p0 v4, $0x0;
	_ =	sdelay $0x1  }
0x176: {  	v6 =	vmul.f32 @!p0 v6, v8  }
0x177: {  	s11 =	sadd.s32 $0xFFFFFFFF, s9;
	s10 =	simm.s32 @!p0 $0x4180  }
0x178: {  	[tilespmem:v7+s10+$0x0] =	vst.idx.add.f32.msk @!p0 vm0, v6;
	p0 =	sgt.u32 s11, $0x1F  }
0x179: {  	v6 =	vld @!p0 [tilespmem:$0x120]  }
0x17a: {  	vm0 =	vgt.s32 @!p0 v3, $0xFFFFFFFF;
	s10 =	sshll.u32 @!p0 s11, $0x9  }
0x17b: {  	v7 =	vadd.s32 @!p0 s10, v5  }
0x17c: {  	v8 =	vbroadcast @!p0 v4, $0x0;
	_ =	sdelay $0x1  }
0x17d: {  	v6 =	vmul.f32 @!p0 v6, v8  }
0x17e: {  	s10 =	simm.s32 @!p0 $0x4180  }
0x17f: {  	[tilespmem:v7+s10+$0x0] =	vst.idx.add.f32.msk @!p0 vm0, v6;
	p0 =	sgt.u32 s9, $0x1F  }
0x180: {  	v6 =	vld @!p0 [tilespmem:$0x130]  }
0x181: {  	vm0 =	vgt.s32 @!p0 v3, $0xFFFFFFFF;
	s10 =	sshll.u32 @!p0 s9, $0x9  }
0x182: {  	v7 =	vadd.s32 @!p0 s10, v5  }
0x183: {  	v8 =	vbroadcast @!p0 v4, $0x0;
	_ =	sdelay $0x1  }
0x184: {  	v6 =	vmul.f32 @!p0 v6, v8  }
0x185: {  	s11 =	sadd.s32 $0x1, s9;
	s10 =	simm.s32 @!p0 $0x4180  }
0x186: {  	[tilespmem:v7+s10+$0x0] =	vst.idx.add.f32.msk @!p0 vm0, v6;
	p0 =	sgt.u32 s11, $0x1F  }
0x187: {  	v6 =	vld @!p0 [tilespmem:$0x140]  }
0x188: {  	vm0 =	vgt.s32 @!p0 v3, $0xFFFFFFFF;
	s10 =	sshll.u32 @!p0 s11, $0x9  }
0x189: {  	v7 =	vadd.s32 @!p0 s10, v5  }
0x18a: {  	v8 =	vbroadcast @!p0 v4, $0x0;
	_ =	sdelay $0x1  }
0x18b: {  	v6 =	vmul.f32 @!p0 v6, v8  }
0x18c: {  	s11 =	sadd.s32 $0x2, s9;
	s10 =	simm.s32 @!p0 $0x4180  }
0x18d: {  	[tilespmem:v7+s10+$0x0] =	vst.idx.add.f32.msk @!p0 vm0, v6;
	p0 =	sgt.u32 s11, $0x1F  }
0x18e: {  	v6 =	vld @!p0 [tilespmem:$0x150]  }
0x18f: {  	vm0 =	vgt.s32 @!p0 v3, $0xFFFFFFFF;
	s10 =	sshll.u32 @!p0 s11, $0x9  }
0x190: {  	v7 =	vadd.s32 @!p0 s10, v5  }
0x191: {  	v8 =	vbroadcast @!p0 v4, $0x0;
	_ =	sdelay $0x1  }
0x192: {  	v6 =	vmul.f32 @!p0 v6, v8  }
0x193: {  	s9 =	sadd.s32 $0x3, s9;
	s10 =	simm.s32 @!p0 $0x4180  }
0x194: {  	[tilespmem:v7+s10+$0x0] =	vst.idx.add.f32.msk @!p0 vm0, v6;
	p0 =	sgt.u32 s9, $0x1F  }
0x195: {  	v6 =	vld @!p0 [tilespmem:$0x160]  }
0x196: {  	vm0 =	vgt.s32 @!p0 v3, $0xFFFFFFFF;
	s9 =	sshll.u32 @!p0 s9, $0x9  }
0x197: {  	v3 =	vadd.s32 @!p0 s9, v5  }
.Ltmp10:
0x198: {  	v4 =	vbroadcast @!p0 v4, $0x0;
	(pc) =	sbr.rel .LBB2_13-.Ltmp10, $4  }
0x199: {  	_ = 	snop  }
0x19a: {  	v4 =	vmul.f32 @!p0 v6, v4  }
0x19b: {  	s9 =	simm.s32 @!p0 $0x4180  }
0x19c: {  	[tilespmem:v3+s9+$0x0] =	vst.idx.add.f32.msk @!p0 vm0, v4  }
.LBB2_14:
0x19d: {  	s2 =	sadd.s32 s6, s2;
	s3 =	simm.s32 $0x80;
	s4 =	simm.s32 $0x100  }
0x19e: {  	s5 =	simm.s32 $0x4180;
	s31 =	simm.s32 $0x1;
	s2 =	sadd.s32 $0x10, s2  }
0x19f: {  	[hbm4b:s2+s3] =	stream.strided.scatter [tilespmem:s5], [sflag:$0x1], $0x4000, s4, s3, $0x38;
	[tilespmem:$0x8180] =	vst v63  }
0x1a0: {  	_ =	swait.ge [sflag:s31], $0x4000  }
0x1a1: {  	[sflag:s31] =	ssyncset.done $0x0  }
0x1a2: {  	[sflag:s31] =	ssyncadd.s32 $0xFFFFC000  }
0x1a3: {  	_ =	swait.ge [sflag:s31], $0x4000  }
0x1a4: {  	[sflag:s31] =	ssyncset.done $0x0  }
0x1a5: {  	[sflag:s31] =	ssyncadd.s32 $0xFFFFC000  }
0x1a6: {  	_ =	sfence.sel $0x180000  }
0x1a7: {  	[bflag:$0x0] =	sbarrier.arrive $0xFFFF  }
0x1a8: {  	p0 =	sne.s32 s1, $0x0;
	_ =	strace $0x90000047  }
0x1a9: {  	s0 =	sadd.s32 @!p0 $0x100000, s0;
	[bflag:$0x2] =	sbarrier.arrive $0xFFFF  }
0x1aa: {  	[sflag:s0] =	ssyncadd.tile.s32 @!p0 $0x1;
	_ =	shalt  }
.Lfunc_end2:
_tile_overlayer_lowered:
.L_overlay_start_2:
0x1ab: {  	(tag) =	ssettag $0x2  }
0x1ac: {  	s0 =	rddreg [dreg:$0x0];
	s2 =	stileid.u32  }
0x1ad: {  	s1 =	rddreg [dreg:$0x1];
	p0 =	sne.s32 s2, $0x0  }
0x1ae: {  	s3 =	rddreg [dreg:$0x2];
	[bflag:$0x3] =	sbarrier.arrive $0xFFFF;
	s2 =	simm.s32 @!p0 $0x1C02  }
0x1af: {  	[timem:s3], [sflag:s2] =	dma.local @!p0 [hbm:s0], s1  }
0x1b0: {  	s0 =	simm.s32 @!p0 $0x2  }
0x1b1: {  	_ =	swait.ge @!p0 [sflag:s0], s1  }
0x1b2: {  	s1 =	ssub.s32 @!p0 $0x0, s1;
	[sflag:s0] =	ssyncset.done @!p0 $0x0  }
0x1b3: {  	[sflag:s0] =	ssyncadd.s32 @!p0 s1  }
0x1b4: {  	[bflag:$0x3] =	sbarrier.arrive $0xFFFF  }
0x1b5: {  	_ =	shalt  }

</sc_bundles>
